<compile_context>
chip_gen: v7x
topology: tpu7x:2x2x1
jax: 0.10.2.dev20260603
libtpu: 0.0.44.dev20260713+nightly
codegen_flags: <defaults>
</compile_context>

<pallas_src>
import dataclasses
import functools

import jax
import jax.numpy as jnp
from jax.experimental import pallas as pl
from jax.experimental.pallas import tpu as pltpu
from jax.experimental.pallas import tpu_sc as plsc

_K = 32
_K_PAD = 33
_SC_CH = 128
_SC_TT = 64


def _subtree(xb, t, yv, k0, k1):
    nodes = [yv[k : k + 1, :] for k in range(k0, k1)]
    size = 1
    while len(nodes) > 1:
        nxt = []
        for j in range(len(nodes) // 2):
            m = k0 + 2 * size * j + size - 1
            mask = xb > t[m : m + 1, :]
            nxt.append(jnp.where(mask, nodes[2 * j + 1], nodes[2 * j]))
        nodes = nxt
        size *= 2
    return nodes[0]


def _codec_block_kernel(x_ref, t_ref, y_ref, o_ref):
    xb = x_ref[...]
    t = t_ref[...]
    yv = y_ref[...]
    lo = _subtree(xb, t, yv, 0, _K // 2)
    hi = _subtree(xb, t, yv, _K // 2, _K)
    o_ref[...] = jnp.where(xb > t[_K // 2 - 1 : _K // 2, :], hi, lo)


def _tc_codec(x2, t_pad, y_t, tn, th, row0):
    n, h = x2.shape
    grid = (h // th, (n - row0) // tn)
    off = row0 // tn
    return pl.pallas_call(
        _codec_block_kernel,
        grid=grid,
        in_specs=[
            pl.BlockSpec((tn, th), lambda j, i: (i + off, j)),
            pl.BlockSpec((_K, th), lambda j, i: (0, j)),
            pl.BlockSpec((_K, th), lambda j, i: (0, j)),
        ],
        out_specs=pl.BlockSpec((tn, th), lambda j, i: (i + off, j)),
        out_shape=jax.ShapeDtypeStruct((n, h), jnp.float32),
        compiler_params=pltpu.CompilerParams(
            dimension_semantics=("arbitrary", "arbitrary"),
        ),
    )(x2, t_pad, y_t)


def _sc_codec(x_sc, t_cm, y_cm):
    n_sc, h = x_sc.shape
    mesh = plsc.VectorSubcoreMesh(core_axis_name="c", subcore_axis_name="s")
    grid = (n_sc // _SC_TT, h // _SC_CH)

    cp = pltpu.CompilerParams()
    if "needs_layout_passes" in pltpu.CompilerParams.__dataclass_fields__:
        cp = dataclasses.replace(cp, needs_layout_passes=False)

    @functools.partial(
        pl.kernel,
        out_type=jax.ShapeDtypeStruct((n_sc, h), jnp.float32),
        mesh=mesh,
        compiler_params=cp,
    )
    def run(x_hbm, t_hbm, y_hbm, o_hbm):
        def body(x_v, t_v, y_v, o_v):
            ci = jax.lax.iota(jnp.int32, 16)
            ngroup = _SC_CH // 16

            @pl.loop(0, _SC_TT)
            def _(ti):
                xs = [x_v.at[ti, pl.ds(16 * g, 16)][...] for g in range(ngroup)]
                cgs = [ci + (16 * g) for g in range(ngroup)]
                idxs = [jnp.zeros((16,), jnp.int32)] * ngroup
                for s in (16, 8, 4, 2, 1):
                    tvs = [
                        plsc.load_gather(t_v, [cgs[g], idxs[g] + (s - 1)])
                        for g in range(ngroup)
                    ]
                    idxs = [
                        idxs[g]
                        + jnp.where(xs[g] > tvs[g], jnp.int32(s), jnp.int32(0))
                        for g in range(ngroup)
                    ]
                for g in range(ngroup):
                    ov = plsc.load_gather(y_v, [cgs[g], idxs[g]])
                    o_v.at[ti, pl.ds(16 * g, 16)][...] = ov

        pltpu.emit_pipeline(
            body,
            grid=grid,
            in_specs=[
                pl.BlockSpec((_SC_TT, _SC_CH), lambda i, j: (i, j)),
                pl.BlockSpec((_SC_CH, _K_PAD), lambda i, j: (j, 0)),
                pl.BlockSpec((_SC_CH, _K_PAD), lambda i, j: (j, 0)),
            ],
            out_specs=[pl.BlockSpec((_SC_TT, _SC_CH), lambda i, j: (i, j))],
            core_axis_name=("c", "s"),
            dimension_semantics=(pltpu.PARALLEL, pltpu.PARALLEL),
        )(x_hbm, t_hbm, y_hbm, o_hbm)

    return run(x_sc, t_cm, y_cm)


@functools.partial(jax.jit, static_argnames=("tn", "th", "n_sc"))
def _codec(x2, t_pad, y_t, t_cm, y_cm, tn, th, n_sc):
    n, h = x2.shape
    out_sc = _sc_codec(x2[:n_sc], t_cm, y_cm)
    if n_sc == n:
        return out_sc
    out = _tc_codec(x2, t_pad, y_t, tn, th, row0=n_sc)
    return jax.lax.dynamic_update_slice(out, out_sc, (0, 0))


def kernel(x, thresholds, y):
    shape = x.shape
    h = shape[-1]
    x2 = x.reshape(-1, h).astype(jnp.float32)
    t_t = thresholds.T.astype(jnp.float32)
    t_pad = jnp.concatenate([t_t, t_t[-1:, :]], axis=0)
    y_t = y.T.astype(jnp.float32)
    tf = thresholds.astype(jnp.float32)
    t_cm = jnp.concatenate([tf] + [tf[:, -1:]] * (_K_PAD - _K + 1), 1)
    yf = y.astype(jnp.float32)
    y_cm = jnp.concatenate([yf, yf[:, -1:]], 1)
    out = _codec(x2, t_pad, y_t, t_cm, y_cm, tn=2048, th=128, n_sc=2048)
    return out.reshape(shape)

# --- scband reference (transcript-rebuilt; emitter-appended) ---
"""Pipeline reference for scband-asncactivation-70866960384225 (READ-ONLY COPY).

The authoritative reference and input builder live on the scoring server;
editing this copy changes nothing except your own understanding.
"""

import jax, jax.numpy as jnp
import numpy as np

B, S, H, K = 2, 8192, 2048, 32


def setup_inputs(seed: int = 0) -> dict:
    key = jax.random.key(seed)
    k1, k2, k3 = jax.random.split(key, 3)
    x = jax.random.normal(k1, (B, S, H), dtype=jnp.float32)
    # learned per-channel codec parameters (module is assumed fitted):
    # thresholds must be strictly increasing along axis=1 per channel
    raw_t = jax.random.normal(k2, (H, K - 1), dtype=jnp.float32)
    thresholds = jnp.sort(raw_t, axis=1)
    y = jax.random.normal(k3, (H, K), dtype=jnp.float32)
    return {"x": x, "thresholds": thresholds, "y": y}


def reference(x, thresholds, y):
    # Fitted forward path of ASNCActivation: per-channel K-level
    # piecewise-constant codec via searchsorted + gather.
    shape = x.shape
    x2 = x.reshape(-1, shape[-1]).astype(jnp.float32)  # [N, H]
    xt = x2.T  # [H, N]  (channel-major, matches torch x2.t().contiguous())
    # torch.searchsorted default (right=False) == jnp.searchsorted side='left'
    idx = jax.vmap(lambda t_row, v_row: jnp.searchsorted(t_row, v_row))(thresholds, xt)
    idx = jnp.clip(idx, 0, K - 1)  # [H, N]
    out = jnp.take_along_axis(y, idx, axis=1).T  # [N, H]
    return out.reshape(shape)

if __name__ == "__main__":
    import jax
    _d = setup_inputs()
    print(jax.jit(kernel)(*tuple(_d.values())))

</pallas_src>

<mosaic_0001>
#map = affine_map<(d0, d1) -> (0, 0)>
module attributes {stable_mosaic.version = 14 : i64} {
  func.func @run(%arg0: i32, %arg1: i32, %arg2: memref<2048x2048xf32, #tpu.memory_space<hbm>>, %arg3: memref<2048x33xf32, #tpu.memory_space<hbm>>, %arg4: memref<2048x33xf32, #tpu.memory_space<hbm>>, %arg5: memref<2048x2048xf32, #tpu.memory_space<hbm>>) attributes {dimension_semantics = [#tpu.dimension_semantics<core_parallel>, #tpu.dimension_semantics<subcore_parallel>], iteration_bounds = array<i64: 2, 16>, scalar_prefetch = 0 : i64, scratch_operands = 0 : i64, tpu.core_type = #tpu.core_type<sc_vector_subcore>, window_params = [{transform_indices = #map}, {transform_indices = #map}, {transform_indices = #map}, {transform_indices = #map}]} {
    %mul3A = arith.constant 1 : i32
    %mul3A_0 = arith.muli %arg1, %mul3A : i32
    %add3A = arith.constant 0 : i32
    %add3A_1 = arith.addi %add3A, %mul3A_0 : i32
    %mul3A_2 = arith.constant 16 : i32
    %mul3A_3 = arith.muli %arg0, %mul3A_2 : i32
    %add3A_4 = arith.addi %add3A_1, %mul3A_3 : i32
    %mul3A_5 = arith.constant 1 : i32
    %mul3A_6 = arith.muli %add3A_4, %mul3A_5 : i32
    "tpu.region"() ({
      %run_scoped3A = memref.alloca() : memref<2x64x128xf32, #tpu.memory_space<vmem>>
      %run_scoped3A_7 = tpu.sem_alloc : memref<2x!tpu.dma_semaphore, #tpu.memory_space<semaphore_mem>>
      %run_scoped3A_8 = memref.alloca() : memref<2x128x33xf32, #tpu.memory_space<vmem>>
      %run_scoped3A_9 = tpu.sem_alloc : memref<2x!tpu.dma_semaphore, #tpu.memory_space<semaphore_mem>>
      %run_scoped3A_10 = memref.alloca() : memref<2x128x33xf32, #tpu.memory_space<vmem>>
      %run_scoped3A_11 = tpu.sem_alloc : memref<2x!tpu.dma_semaphore, #tpu.memory_space<semaphore_mem>>
      %run_scoped3A_12 = memref.alloca() : memref<2x64x128xf32, #tpu.memory_space<vmem>>
      %run_scoped3A_13 = tpu.sem_alloc : memref<2x!tpu.dma_semaphore, #tpu.memory_space<semaphore_mem>>
      %add3A_14 = arith.constant 0 : i32
      %add3A_15 = arith.addi %add3A_14, %mul3A_6 : i32
      %select_n3A = arith.constant true
      %select_n3A_16 = arith.constant 0 : i32
      %select_n3A_17 = arith.constant -1 : i32
      %select_n3A_18 = arith.select %select_n3A, %select_n3A_17, %select_n3A_16 : i32
      %eq3A = arith.constant -1 : i32
      %eq3A_19 = arith.cmpi eq, %select_n3A_18, %eq3A : i32
      %select_n3A_20 = arith.constant 15 : i32
      %select_n3A_21 = arith.select %eq3A_19, %select_n3A_20, %select_n3A_18 : i32
      %select_n3A_22 = arith.constant 0 : i32
      %select_n3A_23 = arith.constant -1 : i32
      %select_n3A_24 = arith.select %eq3A_19, %select_n3A_23, %select_n3A_22 : i32
      %eq3A_25 = arith.constant -1 : i32
      %eq3A_26 = arith.cmpi eq, %select_n3A_24, %eq3A_25 : i32
      %select_n3A_27 = arith.constant 0 : i32
      %select_n3A_28 = arith.select %eq3A_26, %select_n3A_27, %select_n3A_24 : i32
      %add3A_29 = arith.constant 0 : i32
      %add3A_30 = arith.addi %add3A_29, %mul3A_6 : i32
      %add3A_31 = arith.constant 0 : i32
      %add3A_32 = arith.addi %select_n3A_21, %add3A_31 : i32
      %select_n3A_33 = arith.constant true
      %select_n3A_34 = arith.constant 0 : i32
      %select_n3A_35 = arith.constant 1 : i32
      %select_n3A_36 = arith.select %select_n3A_33, %select_n3A_35, %select_n3A_34 : i32
      %eq3A_37 = arith.constant 16 : i32
      %eq3A_38 = arith.cmpi eq, %select_n3A_36, %eq3A_37 : i32
      %select_n3A_39 = arith.constant 0 : i32
      %select_n3A_40 = arith.select %eq3A_38, %select_n3A_39, %select_n3A_36 : i32
      %select_n3A_41 = arith.constant 0 : i32
      %select_n3A_42 = arith.constant 1 : i32
      %select_n3A_43 = arith.select %eq3A_38, %select_n3A_42, %select_n3A_41 : i32
      %eq3A_44 = arith.constant 1 : i32
      %eq3A_45 = arith.cmpi eq, %select_n3A_43, %eq3A_44 : i32
      %select_n3A_46 = arith.constant 0 : i32
      %select_n3A_47 = arith.select %eq3A_45, %select_n3A_46, %select_n3A_43 : i32
      %add3A_48 = arith.constant 0 : i32
      %add3A_49 = arith.addi %add3A_48, %mul3A_6 : i32
      %add3A_50 = arith.constant 0 : i32
      %add3A_51 = arith.addi %select_n3A_40, %add3A_50 : i32
      %add3A_52 = arith.constant 1 : i32
      %add3A_53 = arith.addi %select_n3A_40, %add3A_52 : i32
      %select_n3A_54 = arith.constant true
      %select_n3A_55 = arith.select %select_n3A_54, %add3A_53, %select_n3A_40 : i32
      %eq3A_56 = arith.constant 16 : i32
      %eq3A_57 = arith.cmpi eq, %select_n3A_55, %eq3A_56 : i32
      %select_n3A_58 = arith.constant 0 : i32
      %select_n3A_59 = arith.select %eq3A_57, %select_n3A_58, %select_n3A_55 : i32
      %select_n3A_60 = arith.constant 0 : i32
      %select_n3A_61 = arith.constant 1 : i32
      %select_n3A_62 = arith.select %eq3A_57, %select_n3A_61, %select_n3A_60 : i32
      %eq3A_63 = arith.constant 1 : i32
      %eq3A_64 = arith.cmpi eq, %select_n3A_62, %eq3A_63 : i32
      %select_n3A_65 = arith.constant 0 : i32
      %select_n3A_66 = arith.select %eq3A_64, %select_n3A_65, %select_n3A_62 : i32
      %add3A_67 = arith.constant 0 : i32
      %add3A_68 = arith.addi %add3A_67, %mul3A_6 : i32
      %add3A_69 = arith.constant 0 : i32
      %add3A_70 = arith.addi %select_n3A_59, %add3A_69 : i32
      "tpu.trace_start"() <{level = 10 : i32, message = "ep_initialize_0"}> : () -> ()
      %rem3A = arith.constant 0 : i32
      %rem3A_71 = arith.constant 2 : i32
      %rem3A_72 = arith.remui %rem3A, %rem3A_71 : i32
      %mul3A_73 = arith.constant 64 : i32
      %mul3A_74 = arith.muli %mul3A_73, %add3A_15 : i32
      %dma_start3A = arith.constant 0 : i32
      %dma_start3A_75 = arith.constant 0 : i32
      %dma_start3A_76 = tpu.memref_slice %run_scoped3A[%rem3A_72, %dma_start3A, %dma_start3A_75] : memref<2x64x128xf32, #tpu.memory_space<vmem>> -> memref<1x64x128xf32, #tpu.memory_space<vmem>>
      %dma_start3A_77 = tpu.memref_squeeze %dma_start3A_76 : memref<1x64x128xf32, #tpu.memory_space<vmem>> -> memref<64x128xf32, #tpu.memory_space<vmem>>
      %dma_start3A_78 = arith.constant 0 : i32
      %dma_start3A_79 = tpu.memref_slice %arg2[%mul3A_74, %dma_start3A_78] : memref<2048x2048xf32, #tpu.memory_space<hbm>> -> memref<64x128xf32, #tpu.memory_space<hbm>>
      %dma_start3A_80 = tpu.memref_slice %run_scoped3A_7[%rem3A_72] : memref<2x!tpu.dma_semaphore, #tpu.memory_space<semaphore_mem>> -> memref<1x!tpu.dma_semaphore, #tpu.memory_space<semaphore_mem>>
      %dma_start3A_81 = tpu.memref_squeeze %dma_start3A_80 : memref<1x!tpu.dma_semaphore, #tpu.memory_space<semaphore_mem>> -> memref<!tpu.dma_semaphore, #tpu.memory_space<semaphore_mem>>
      %dma_start3A_82 = arith.constant 0 : i32
      %dma_start3A_83 = arith.constant 0 : i32
      %dma_start3A_84 = tpu.memref_slice %run_scoped3A[%rem3A_72, %dma_start3A_82, %dma_start3A_83] : memref<2x64x128xf32, #tpu.memory_space<vmem>> -> memref<1x64x128xf32, #tpu.memory_space<vmem>>
      %dma_start3A_85 = tpu.memref_squeeze %dma_start3A_84 : memref<1x64x128xf32, #tpu.memory_space<vmem>> -> memref<64x128xf32, #tpu.memory_space<vmem>>
      %dma_start3A_86 = arith.constant 0 : i32
      %dma_start3A_87 = tpu.memref_slice %arg2[%mul3A_74, %dma_start3A_86] : memref<2048x2048xf32, #tpu.memory_space<hbm>> -> memref<64x128xf32, #tpu.memory_space<hbm>>
      tpu.enqueue_dma source(%dma_start3A_87 : memref<64x128xf32, #tpu.memory_space<hbm>>) target(%dma_start3A_85 : memref<64x128xf32, #tpu.memory_space<vmem>>) target_semaphore(%dma_start3A_81 : memref<!tpu.dma_semaphore, #tpu.memory_space<semaphore_mem>>)
      %add3A_88 = arith.constant 0 : i32
      %add3A_89 = arith.constant 1 : i32
      %add3A_90 = arith.addi %add3A_88, %add3A_89 : i32
      %select_n3A_91 = arith.constant true
      %select_n3A_92 = arith.constant 0 : i32
      %select_n3A_93 = arith.select %select_n3A_91, %add3A_90, %select_n3A_92 : i32
      %rem3A_94 = arith.constant 0 : i32
      %rem3A_95 = arith.constant 2 : i32
      %rem3A_96 = arith.remui %rem3A_94, %rem3A_95 : i32
      %dma_start3A_97 = arith.constant 0 : i32
      %dma_start3A_98 = arith.constant 0 : i32
      %dma_start3A_99 = tpu.memref_slice %run_scoped3A_8[%rem3A_96, %dma_start3A_97, %dma_start3A_98] : memref<2x128x33xf32, #tpu.memory_space<vmem>> -> memref<1x128x33xf32, #tpu.memory_space<vmem>>
      %dma_start3A_100 = tpu.memref_squeeze %dma_start3A_99 : memref<1x128x33xf32, #tpu.memory_space<vmem>> -> memref<128x33xf32, #tpu.memory_space<vmem>>
      %dma_start3A_101 = arith.constant 0 : i32
      %dma_start3A_102 = arith.constant 0 : i32
      %dma_start3A_103 = tpu.memref_slice %arg3[%dma_start3A_101, %dma_start3A_102] : memref<2048x33xf32, #tpu.memory_space<hbm>> -> memref<128x33xf32, #tpu.memory_space<hbm>>
      %dma_start3A_104 = tpu.memref_slice %run_scoped3A_9[%rem3A_96] : memref<2x!tpu.dma_semaphore, #tpu.memory_space<semaphore_mem>> -> memref<1x!tpu.dma_semaphore, #tpu.memory_space<semaphore_mem>>
      %dma_start3A_105 = tpu.memref_squeeze %dma_start3A_104 : memref<1x!tpu.dma_semaphore, #tpu.memory_space<semaphore_mem>> -> memref<!tpu.dma_semaphore, #tpu.memory_space<semaphore_mem>>
      %dma_start3A_106 = arith.constant 0 : i32
      %dma_start3A_107 = arith.constant 0 : i32
      %dma_start3A_108 = tpu.memref_slice %run_scoped3A_8[%rem3A_96, %dma_start3A_106, %dma_start3A_107] : memref<2x128x33xf32, #tpu.memory_space<vmem>> -> memref<1x128x33xf32, #tpu.memory_space<vmem>>
      %dma_start3A_109 = tpu.memref_squeeze %dma_start3A_108 : memref<1x128x33xf32, #tpu.memory_space<vmem>> -> memref<128x33xf32, #tpu.memory_space<vmem>>
      %dma_start3A_110 = arith.constant 0 : i32
      %dma_start3A_111 = arith.constant 0 : i32
      %dma_start3A_112 = tpu.memref_slice %arg3[%dma_start3A_110, %dma_start3A_111] : memref<2048x33xf32, #tpu.memory_space<hbm>> -> memref<128x33xf32, #tpu.memory_space<hbm>>
      tpu.enqueue_dma source(%dma_start3A_112 : memref<128x33xf32, #tpu.memory_space<hbm>>) target(%dma_start3A_109 : memref<128x33xf32, #tpu.memory_space<vmem>>) target_semaphore(%dma_start3A_105 : memref<!tpu.dma_semaphore, #tpu.memory_space<semaphore_mem>>)
      %add3A_113 = arith.constant 0 : i32
      %add3A_114 = arith.constant 1 : i32
      %add3A_115 = arith.addi %add3A_113, %add3A_114 : i32
      %select_n3A_116 = arith.constant true
      %select_n3A_117 = arith.constant 0 : i32
      %select_n3A_118 = arith.select %select_n3A_116, %add3A_115, %select_n3A_117 : i32
      %rem3A_119 = arith.constant 0 : i32
      %rem3A_120 = arith.constant 2 : i32
      %rem3A_121 = arith.remui %rem3A_119, %rem3A_120 : i32
      %dma_start3A_122 = arith.constant 0 : i32
      %dma_start3A_123 = arith.constant 0 : i32
      %dma_start3A_124 = tpu.memref_slice %run_scoped3A_10[%rem3A_121, %dma_start3A_122, %dma_start3A_123] : memref<2x128x33xf32, #tpu.memory_space<vmem>> -> memref<1x128x33xf32, #tpu.memory_space<vmem>>
      %dma_start3A_125 = tpu.memref_squeeze %dma_start3A_124 : memref<1x128x33xf32, #tpu.memory_space<vmem>> -> memref<128x33xf32, #tpu.memory_space<vmem>>
      %dma_start3A_126 = arith.constant 0 : i32
      %dma_start3A_127 = arith.constant 0 : i32
      %dma_start3A_128 = tpu.memref_slice %arg4[%dma_start3A_126, %dma_start3A_127] : memref<2048x33xf32, #tpu.memory_space<hbm>> -> memref<128x33xf32, #tpu.memory_space<hbm>>
      %dma_start3A_129 = tpu.memref_slice %run_scoped3A_11[%rem3A_121] : memref<2x!tpu.dma_semaphore, #tpu.memory_space<semaphore_mem>> -> memref<1x!tpu.dma_semaphore, #tpu.memory_space<semaphore_mem>>
      %dma_start3A_130 = tpu.memref_squeeze %dma_start3A_129 : memref<1x!tpu.dma_semaphore, #tpu.memory_space<semaphore_mem>> -> memref<!tpu.dma_semaphore, #tpu.memory_space<semaphore_mem>>
      %dma_start3A_131 = arith.constant 0 : i32
      %dma_start3A_132 = arith.constant 0 : i32
      %dma_start3A_133 = tpu.memref_slice %run_scoped3A_10[%rem3A_121, %dma_start3A_131, %dma_start3A_132] : memref<2x128x33xf32, #tpu.memory_space<vmem>> -> memref<1x128x33xf32, #tpu.memory_space<vmem>>
      %dma_start3A_134 = tpu.memref_squeeze %dma_start3A_133 : memref<1x128x33xf32, #tpu.memory_space<vmem>> -> memref<128x33xf32, #tpu.memory_space<vmem>>
      %dma_start3A_135 = arith.constant 0 : i32
      %dma_start3A_136 = arith.constant 0 : i32
      %dma_start3A_137 = tpu.memref_slice %arg4[%dma_start3A_135, %dma_start3A_136] : memref<2048x33xf32, #tpu.memory_space<hbm>> -> memref<128x33xf32, #tpu.memory_space<hbm>>
      tpu.enqueue_dma source(%dma_start3A_137 : memref<128x33xf32, #tpu.memory_space<hbm>>) target(%dma_start3A_134 : memref<128x33xf32, #tpu.memory_space<vmem>>) target_semaphore(%dma_start3A_130 : memref<!tpu.dma_semaphore, #tpu.memory_space<semaphore_mem>>)
      %add3A_138 = arith.constant 0 : i32
      %add3A_139 = arith.constant 1 : i32
      %add3A_140 = arith.addi %add3A_138, %add3A_139 : i32
      %select_n3A_141 = arith.constant true
      %select_n3A_142 = arith.constant 0 : i32
      %select_n3A_143 = arith.select %select_n3A_141, %add3A_140, %select_n3A_142 : i32
      "tpu.trace_stop"() : () -> ()
      %scan3A = arith.constant 0 : i32
      %scan3A_144 = arith.constant 0 : i32
      %scan3A_145 = arith.constant 0 : i32
      %scan3A_146 = arith.constant 0 : i32
      %scan3A_147 = arith.constant 0 : i32
      %scan3A_148 = arith.constant 0 : i32
      %scan3A_149 = arith.constant 0 : i32
      %scan3A_150 = arith.constant 0 : i32
      %scan3A_151 = arith.constant 16 : i32
      %scan3A_152 = arith.addi %scan3A_150, %scan3A_151 : i32
      %scan3A_153 = arith.constant 1 : i32
      %scan3A_154:10 = scf.for %scan3A_248 = %scan3A_150 to %scan3A_152 step %scan3A_153 iter_args(%scan3A_249 = %select_n3A_93, %scan3A_250 = %scan3A, %scan3A_251 = %select_n3A_118, %scan3A_252 = %scan3A_144, %scan3A_253 = %select_n3A_143, %scan3A_254 = %scan3A_145, %scan3A_255 = %scan3A_146, %scan3A_256 = %scan3A_147, %scan3A_257 = %scan3A_148, %scan3A_258 = %scan3A_149) -> (i32, i32, i32, i32, i32, i32, i32, i32, i32, i32)  : i32 {
        %eq3A_259 = arith.constant 0 : i32
        %eq3A_260 = arith.cmpi eq, %scan3A_248, %eq3A_259 : i32
        %eq3A_261 = arith.constant 15 : i32
        %eq3A_262 = arith.cmpi eq, %scan3A_248, %eq3A_261 : i32
        %add3A_263 = arith.constant 0 : i32
        %add3A_264 = arith.addi %add3A_263, %mul3A_6 : i32
        %add3A_265 = arith.constant 0 : i32
        %add3A_266 = arith.addi %scan3A_258, %add3A_265 : i32
        %sub3A_267 = arith.constant 1 : i32
        %sub3A_268 = arith.subi %scan3A_258, %sub3A_267 : i32
        %select_n3A_269 = arith.constant true
        %select_n3A_270 = arith.select %select_n3A_269, %sub3A_268, %scan3A_258 : i32
        %eq3A_271 = arith.constant -1 : i32
        %eq3A_272 = arith.cmpi eq, %select_n3A_270, %eq3A_271 : i32
        %select_n3A_273 = arith.constant 15 : i32
        %select_n3A_274 = arith.select %eq3A_272, %select_n3A_273, %select_n3A_270 : i32
        %select_n3A_275 = arith.constant 0 : i32
        %select_n3A_276 = arith.constant -1 : i32
        %select_n3A_277 = arith.select %eq3A_272, %select_n3A_276, %select_n3A_275 : i32
        %eq3A_278 = arith.constant -1 : i32
        %eq3A_279 = arith.cmpi eq, %select_n3A_277, %eq3A_278 : i32
        %select_n3A_280 = arith.constant 0 : i32
        %select_n3A_281 = arith.select %eq3A_279, %select_n3A_280, %select_n3A_277 : i32
        %add3A_282 = arith.constant 0 : i32
        %add3A_283 = arith.addi %add3A_282, %mul3A_6 : i32
        %add3A_284 = arith.constant 0 : i32
        %add3A_285 = arith.addi %select_n3A_274, %add3A_284 : i32
        %add3A_286 = arith.constant 1 : i32
        %add3A_287 = arith.addi %scan3A_258, %add3A_286 : i32
        %select_n3A_288 = arith.constant true
        %select_n3A_289 = arith.select %select_n3A_288, %add3A_287, %scan3A_258 : i32
        %eq3A_290 = arith.constant 16 : i32
        %eq3A_291 = arith.cmpi eq, %select_n3A_289, %eq3A_290 : i32
        %select_n3A_292 = arith.constant 0 : i32
        %select_n3A_293 = arith.select %eq3A_291, %select_n3A_292, %select_n3A_289 : i32
        %select_n3A_294 = arith.constant 0 : i32
        %select_n3A_295 = arith.constant 1 : i32
        %select_n3A_296 = arith.select %eq3A_291, %select_n3A_295, %select_n3A_294 : i32
        %eq3A_297 = arith.constant 1 : i32
        %eq3A_298 = arith.cmpi eq, %select_n3A_296, %eq3A_297 : i32
        %select_n3A_299 = arith.constant 0 : i32
        %select_n3A_300 = arith.select %eq3A_298, %select_n3A_299, %select_n3A_296 : i32
        %add3A_301 = arith.constant 0 : i32
        %add3A_302 = arith.addi %add3A_301, %mul3A_6 : i32
        %add3A_303 = arith.constant 0 : i32
        %add3A_304 = arith.addi %select_n3A_293, %add3A_303 : i32
        %add3A_305 = arith.constant 1 : i32
        %add3A_306 = arith.addi %select_n3A_293, %add3A_305 : i32
        %select_n3A_307 = arith.constant true
        %select_n3A_308 = arith.select %select_n3A_307, %add3A_306, %select_n3A_293 : i32
        %eq3A_309 = arith.constant 16 : i32
        %eq3A_310 = arith.cmpi eq, %select_n3A_308, %eq3A_309 : i32
        %select_n3A_311 = arith.constant 0 : i32
        %select_n3A_312 = arith.select %eq3A_310, %select_n3A_311, %select_n3A_308 : i32
        %select_n3A_313 = arith.constant 0 : i32
        %select_n3A_314 = arith.constant 1 : i32
        %select_n3A_315 = arith.select %eq3A_310, %select_n3A_314, %select_n3A_313 : i32
        %eq3A_316 = arith.constant 1 : i32
        %eq3A_317 = arith.cmpi eq, %select_n3A_315, %eq3A_316 : i32
        %select_n3A_318 = arith.constant 0 : i32
        %select_n3A_319 = arith.select %eq3A_317, %select_n3A_318, %select_n3A_315 : i32
        %add3A_320 = arith.constant 0 : i32
        %add3A_321 = arith.addi %add3A_320, %mul3A_6 : i32
        %add3A_322 = arith.constant 0 : i32
        %add3A_323 = arith.addi %select_n3A_312, %add3A_322 : i32
        %ne3A = arith.cmpi ne, %add3A_264, %add3A_302 : i32
        %ne3A_324 = arith.cmpi ne, %add3A_266, %add3A_304 : i32
        %or3A = arith.constant false
        %or3A_325 = arith.ori %or3A, %ne3A : i1
        %or3A_326 = arith.ori %or3A_325, %ne3A_324 : i1
        %ge3A = arith.constant 15 : i32
        %ge3A_327 = arith.cmpi sge, %scan3A_248, %ge3A : i32
        %not3A = arith.constant true
        %not3A_328 = arith.xori %ge3A_327, %not3A : i1
        %and3A = arith.andi %or3A_326, %not3A_328 : i1
        %convert_element_type3A = arith.extui %and3A : i1 to i32
        %cond3A = arith.constant 0 : i32
        %cond3A_329 = arith.cmpi ne, %convert_element_type3A, %cond3A : i32
        scf.if %cond3A_329 {
          "tpu.trace_start"() <{level = 10 : i32, message = "ep_copy_in"}> : () -> ()
          %rem3A_575 = arith.constant 2 : i32
          %rem3A_576 = arith.remui %scan3A_249, %rem3A_575 : i32
          %mul3A_577 = arith.constant 64 : i32
          %mul3A_578 = arith.muli %mul3A_577, %add3A_302 : i32
          %mul3A_579 = arith.constant 128 : i32
          %mul3A_580 = arith.muli %mul3A_579, %add3A_304 : i32
          %dma_start3A_581 = arith.constant 0 : i32
          %dma_start3A_582 = arith.constant 0 : i32
          %dma_start3A_583 = tpu.memref_slice %run_scoped3A[%rem3A_576, %dma_start3A_581, %dma_start3A_582] : memref<2x64x128xf32, #tpu.memory_space<vmem>> -> memref<1x64x128xf32, #tpu.memory_space<vmem>>
          %dma_start3A_584 = tpu.memref_squeeze %dma_start3A_583 : memref<1x64x128xf32, #tpu.memory_space<vmem>> -> memref<64x128xf32, #tpu.memory_space<vmem>>
          %dma_start3A_585 = tpu.memref_slice %arg2[%mul3A_578, %mul3A_580] : memref<2048x2048xf32, #tpu.memory_space<hbm>> -> memref<64x128xf32, #tpu.memory_space<hbm>>
          %dma_start3A_586 = tpu.memref_slice %run_scoped3A_7[%rem3A_576] : memref<2x!tpu.dma_semaphore, #tpu.memory_space<semaphore_mem>> -> memref<1x!tpu.dma_semaphore, #tpu.memory_space<semaphore_mem>>
          %dma_start3A_587 = tpu.memref_squeeze %dma_start3A_586 : memref<1x!tpu.dma_semaphore, #tpu.memory_space<semaphore_mem>> -> memref<!tpu.dma_semaphore, #tpu.memory_space<semaphore_mem>>
          %dma_start3A_588 = arith.constant 0 : i32
          %dma_start3A_589 = arith.constant 0 : i32
          %dma_start3A_590 = tpu.memref_slice %run_scoped3A[%rem3A_576, %dma_start3A_588, %dma_start3A_589] : memref<2x64x128xf32, #tpu.memory_space<vmem>> -> memref<1x64x128xf32, #tpu.memory_space<vmem>>
          %dma_start3A_591 = tpu.memref_squeeze %dma_start3A_590 : memref<1x64x128xf32, #tpu.memory_space<vmem>> -> memref<64x128xf32, #tpu.memory_space<vmem>>
          %dma_start3A_592 = tpu.memref_slice %arg2[%mul3A_578, %mul3A_580] : memref<2048x2048xf32, #tpu.memory_space<hbm>> -> memref<64x128xf32, #tpu.memory_space<hbm>>
          tpu.enqueue_dma source(%dma_start3A_592 : memref<64x128xf32, #tpu.memory_space<hbm>>) target(%dma_start3A_591 : memref<64x128xf32, #tpu.memory_space<vmem>>) target_semaphore(%dma_start3A_587 : memref<!tpu.dma_semaphore, #tpu.memory_space<semaphore_mem>>)
          "tpu.trace_stop"() : () -> ()
        } else {
        }
        %and3A_330 = arith.constant true
        %and3A_331 = arith.andi %and3A, %and3A_330 : i1
        %add3A_332 = arith.constant 1 : i32
        %add3A_333 = arith.addi %scan3A_249, %add3A_332 : i32
        %select_n3A_334 = arith.select %and3A_331, %add3A_333, %scan3A_249 : i32
        %ne3A_335 = arith.cmpi ne, %add3A_266, %add3A_304 : i32
        %or3A_336 = arith.constant false
        %or3A_337 = arith.ori %or3A_336, %ne3A_335 : i1
        %or3A_338 = arith.constant false
        %or3A_339 = arith.ori %or3A_337, %or3A_338 : i1
        %ge3A_340 = arith.constant 15 : i32
        %ge3A_341 = arith.cmpi sge, %scan3A_248, %ge3A_340 : i32
        %not3A_342 = arith.constant true
        %not3A_343 = arith.xori %ge3A_341, %not3A_342 : i1
        %and3A_344 = arith.andi %or3A_339, %not3A_343 : i1
        %convert_element_type3A_345 = arith.extui %and3A_344 : i1 to i32
        %cond3A_346 = arith.constant 0 : i32
        %cond3A_347 = arith.cmpi ne, %convert_element_type3A_345, %cond3A_346 : i32
        scf.if %cond3A_347 {
          "tpu.trace_start"() <{level = 10 : i32, message = "ep_copy_in"}> : () -> ()
          %rem3A_575 = arith.constant 2 : i32
          %rem3A_576 = arith.remui %scan3A_251, %rem3A_575 : i32
          %mul3A_577 = arith.constant 128 : i32
          %mul3A_578 = arith.muli %mul3A_577, %add3A_304 : i32
          %dma_start3A_579 = arith.constant 0 : i32
          %dma_start3A_580 = arith.constant 0 : i32
          %dma_start3A_581 = tpu.memref_slice %run_scoped3A_8[%rem3A_576, %dma_start3A_579, %dma_start3A_580] : memref<2x128x33xf32, #tpu.memory_space<vmem>> -> memref<1x128x33xf32, #tpu.memory_space<vmem>>
          %dma_start3A_582 = tpu.memref_squeeze %dma_start3A_581 : memref<1x128x33xf32, #tpu.memory_space<vmem>> -> memref<128x33xf32, #tpu.memory_space<vmem>>
          %dma_start3A_583 = arith.constant 0 : i32
          %dma_start3A_584 = tpu.memref_slice %arg3[%mul3A_578, %dma_start3A_583] : memref<2048x33xf32, #tpu.memory_space<hbm>> -> memref<128x33xf32, #tpu.memory_space<hbm>>
          %dma_start3A_585 = tpu.memref_slice %run_scoped3A_9[%rem3A_576] : memref<2x!tpu.dma_semaphore, #tpu.memory_space<semaphore_mem>> -> memref<1x!tpu.dma_semaphore, #tpu.memory_space<semaphore_mem>>
          %dma_start3A_586 = tpu.memref_squeeze %dma_start3A_585 : memref<1x!tpu.dma_semaphore, #tpu.memory_space<semaphore_mem>> -> memref<!tpu.dma_semaphore, #tpu.memory_space<semaphore_mem>>
          %dma_start3A_587 = arith.constant 0 : i32
          %dma_start3A_588 = arith.constant 0 : i32
          %dma_start3A_589 = tpu.memref_slice %run_scoped3A_8[%rem3A_576, %dma_start3A_587, %dma_start3A_588] : memref<2x128x33xf32, #tpu.memory_space<vmem>> -> memref<1x128x33xf32, #tpu.memory_space<vmem>>
          %dma_start3A_590 = tpu.memref_squeeze %dma_start3A_589 : memref<1x128x33xf32, #tpu.memory_space<vmem>> -> memref<128x33xf32, #tpu.memory_space<vmem>>
          %dma_start3A_591 = arith.constant 0 : i32
          %dma_start3A_592 = tpu.memref_slice %arg3[%mul3A_578, %dma_start3A_591] : memref<2048x33xf32, #tpu.memory_space<hbm>> -> memref<128x33xf32, #tpu.memory_space<hbm>>
          tpu.enqueue_dma source(%dma_start3A_592 : memref<128x33xf32, #tpu.memory_space<hbm>>) target(%dma_start3A_590 : memref<128x33xf32, #tpu.memory_space<vmem>>) target_semaphore(%dma_start3A_586 : memref<!tpu.dma_semaphore, #tpu.memory_space<semaphore_mem>>)
          "tpu.trace_stop"() : () -> ()
        } else {
        }
        %and3A_348 = arith.constant true
        %and3A_349 = arith.andi %and3A_344, %and3A_348 : i1
        %add3A_350 = arith.constant 1 : i32
        %add3A_351 = arith.addi %scan3A_251, %add3A_350 : i32
        %select_n3A_352 = arith.select %and3A_349, %add3A_351, %scan3A_251 : i32
        %ne3A_353 = arith.cmpi ne, %add3A_266, %add3A_304 : i32
        %or3A_354 = arith.constant false
        %or3A_355 = arith.ori %or3A_354, %ne3A_353 : i1
        %or3A_356 = arith.constant false
        %or3A_357 = arith.ori %or3A_355, %or3A_356 : i1
        %ge3A_358 = arith.constant 15 : i32
        %ge3A_359 = arith.cmpi sge, %scan3A_248, %ge3A_358 : i32
        %not3A_360 = arith.constant true
        %not3A_361 = arith.xori %ge3A_359, %not3A_360 : i1
        %and3A_362 = arith.andi %or3A_357, %not3A_361 : i1
        %convert_element_type3A_363 = arith.extui %and3A_362 : i1 to i32
        %cond3A_364 = arith.constant 0 : i32
        %cond3A_365 = arith.cmpi ne, %convert_element_type3A_363, %cond3A_364 : i32
        scf.if %cond3A_365 {
          "tpu.trace_start"() <{level = 10 : i32, message = "ep_copy_in"}> : () -> ()
          %rem3A_575 = arith.constant 2 : i32
          %rem3A_576 = arith.remui %scan3A_253, %rem3A_575 : i32
          %mul3A_577 = arith.constant 128 : i32
          %mul3A_578 = arith.muli %mul3A_577, %add3A_304 : i32
          %dma_start3A_579 = arith.constant 0 : i32
          %dma_start3A_580 = arith.constant 0 : i32
          %dma_start3A_581 = tpu.memref_slice %run_scoped3A_10[%rem3A_576, %dma_start3A_579, %dma_start3A_580] : memref<2x128x33xf32, #tpu.memory_space<vmem>> -> memref<1x128x33xf32, #tpu.memory_space<vmem>>
          %dma_start3A_582 = tpu.memref_squeeze %dma_start3A_581 : memref<1x128x33xf32, #tpu.memory_space<vmem>> -> memref<128x33xf32, #tpu.memory_space<vmem>>
          %dma_start3A_583 = arith.constant 0 : i32
          %dma_start3A_584 = tpu.memref_slice %arg4[%mul3A_578, %dma_start3A_583] : memref<2048x33xf32, #tpu.memory_space<hbm>> -> memref<128x33xf32, #tpu.memory_space<hbm>>
          %dma_start3A_585 = tpu.memref_slice %run_scoped3A_11[%rem3A_576] : memref<2x!tpu.dma_semaphore, #tpu.memory_space<semaphore_mem>> -> memref<1x!tpu.dma_semaphore, #tpu.memory_space<semaphore_mem>>
          %dma_start3A_586 = tpu.memref_squeeze %dma_start3A_585 : memref<1x!tpu.dma_semaphore, #tpu.memory_space<semaphore_mem>> -> memref<!tpu.dma_semaphore, #tpu.memory_space<semaphore_mem>>
          %dma_start3A_587 = arith.constant 0 : i32
          %dma_start3A_588 = arith.constant 0 : i32
          %dma_start3A_589 = tpu.memref_slice %run_scoped3A_10[%rem3A_576, %dma_start3A_587, %dma_start3A_588] : memref<2x128x33xf32, #tpu.memory_space<vmem>> -> memref<1x128x33xf32, #tpu.memory_space<vmem>>
          %dma_start3A_590 = tpu.memref_squeeze %dma_start3A_589 : memref<1x128x33xf32, #tpu.memory_space<vmem>> -> memref<128x33xf32, #tpu.memory_space<vmem>>
          %dma_start3A_591 = arith.constant 0 : i32
          %dma_start3A_592 = tpu.memref_slice %arg4[%mul3A_578, %dma_start3A_591] : memref<2048x33xf32, #tpu.memory_space<hbm>> -> memref<128x33xf32, #tpu.memory_space<hbm>>
          tpu.enqueue_dma source(%dma_start3A_592 : memref<128x33xf32, #tpu.memory_space<hbm>>) target(%dma_start3A_590 : memref<128x33xf32, #tpu.memory_space<vmem>>) target_semaphore(%dma_start3A_586 : memref<!tpu.dma_semaphore, #tpu.memory_space<semaphore_mem>>)
          "tpu.trace_stop"() : () -> ()
        } else {
        }
        %and3A_366 = arith.constant true
        %and3A_367 = arith.andi %and3A_362, %and3A_366 : i1
        %add3A_368 = arith.constant 1 : i32
        %add3A_369 = arith.addi %scan3A_253, %add3A_368 : i32
        %select_n3A_370 = arith.select %and3A_367, %add3A_369, %scan3A_253 : i32
        %ne3A_371 = arith.cmpi ne, %add3A_264, %add3A_302 : i32
        %ne3A_372 = arith.cmpi ne, %add3A_266, %add3A_304 : i32
        %or3A_373 = arith.constant false
        %or3A_374 = arith.ori %or3A_373, %ne3A_371 : i1
        %or3A_375 = arith.ori %or3A_374, %ne3A_372 : i1
        %ge3A_376 = arith.constant 15 : i32
        %ge3A_377 = arith.cmpi sge, %scan3A_248, %ge3A_376 : i32
        %not3A_378 = arith.constant true
        %not3A_379 = arith.xori %ge3A_377, %not3A_378 : i1
        %and3A_380 = arith.andi %or3A_375, %not3A_379 : i1
        %ne3A_381 = arith.cmpi ne, %add3A_264, %add3A_283 : i32
        %ne3A_382 = arith.cmpi ne, %add3A_266, %add3A_285 : i32
        %or3A_383 = arith.constant false
        %or3A_384 = arith.ori %or3A_383, %ne3A_381 : i1
        %or3A_385 = arith.ori %or3A_384, %ne3A_382 : i1
        %or3A_386 = arith.ori %or3A_385, %eq3A_260 : i1
        %convert_element_type3A_387 = arith.extui %or3A_386 : i1 to i32
        %cond3A_388 = arith.constant 0 : i32
        %cond3A_389 = arith.cmpi ne, %convert_element_type3A_387, %cond3A_388 : i32
        scf.if %cond3A_389 {
          "tpu.trace_start"() <{level = 10 : i32, message = "ep_wait_in"}> : () -> ()
          %mul3A_575 = arith.constant 64 : i32
          %mul3A_576 = arith.muli %mul3A_575, %add3A_264 : i32
          %mul3A_577 = arith.constant 128 : i32
          %mul3A_578 = arith.muli %mul3A_577, %add3A_266 : i32
          %rem3A_579 = arith.constant 2 : i32
          %rem3A_580 = arith.remui %scan3A_250, %rem3A_579 : i32
          %dma_wait3A_581 = arith.constant 0 : i32
          %dma_wait3A_582 = arith.constant 0 : i32
          %dma_wait3A_583 = tpu.memref_slice %run_scoped3A[%rem3A_580, %dma_wait3A_581, %dma_wait3A_582] : memref<2x64x128xf32, #tpu.memory_space<vmem>> -> memref<1x64x128xf32, #tpu.memory_space<vmem>>
          %dma_wait3A_584 = tpu.memref_squeeze %dma_wait3A_583 : memref<1x64x128xf32, #tpu.memory_space<vmem>> -> memref<64x128xf32, #tpu.memory_space<vmem>>
          %dma_wait3A_585 = tpu.memref_slice %arg2[%mul3A_576, %mul3A_578] : memref<2048x2048xf32, #tpu.memory_space<hbm>> -> memref<64x128xf32, #tpu.memory_space<hbm>>
          %dma_wait3A_586 = tpu.memref_slice %run_scoped3A_7[%rem3A_580] : memref<2x!tpu.dma_semaphore, #tpu.memory_space<semaphore_mem>> -> memref<1x!tpu.dma_semaphore, #tpu.memory_space<semaphore_mem>>
          %dma_wait3A_587 = tpu.memref_squeeze %dma_wait3A_586 : memref<1x!tpu.dma_semaphore, #tpu.memory_space<semaphore_mem>> -> memref<!tpu.dma_semaphore, #tpu.memory_space<semaphore_mem>>
          %dma_wait3A_588 = arith.constant 0 : i32
          %dma_wait3A_589 = arith.constant 0 : i32
          %dma_wait3A_590 = tpu.memref_slice %run_scoped3A[%rem3A_580, %dma_wait3A_588, %dma_wait3A_589] : memref<2x64x128xf32, #tpu.memory_space<vmem>> -> memref<1x64x128xf32, #tpu.memory_space<vmem>>
          %dma_wait3A_591 = tpu.memref_squeeze %dma_wait3A_590 : memref<1x64x128xf32, #tpu.memory_space<vmem>> -> memref<64x128xf32, #tpu.memory_space<vmem>>
          %dma_wait3A_592 = tpu.memref_slice %arg2[%mul3A_576, %mul3A_578] : memref<2048x2048xf32, #tpu.memory_space<hbm>> -> memref<64x128xf32, #tpu.memory_space<hbm>>
          tpu.wait_dma2 semaphore(%dma_wait3A_587 : memref<!tpu.dma_semaphore, #tpu.memory_space<semaphore_mem>>) src(%dma_wait3A_592 : memref<64x128xf32, #tpu.memory_space<hbm>>) dst(%dma_wait3A_591 : memref<64x128xf32, #tpu.memory_space<vmem>>)
          "tpu.trace_stop"() : () -> ()
        } else {
        }
        %ne3A_390 = arith.cmpi ne, %add3A_266, %add3A_285 : i32
        %or3A_391 = arith.constant false
        %or3A_392 = arith.ori %or3A_391, %ne3A_390 : i1
        %or3A_393 = arith.constant false
        %or3A_394 = arith.ori %or3A_392, %or3A_393 : i1
        %or3A_395 = arith.ori %or3A_394, %eq3A_260 : i1
        %convert_element_type3A_396 = arith.extui %or3A_395 : i1 to i32
        %cond3A_397 = arith.constant 0 : i32
        %cond3A_398 = arith.cmpi ne, %convert_element_type3A_396, %cond3A_397 : i32
        scf.if %cond3A_398 {
          "tpu.trace_start"() <{level = 10 : i32, message = "ep_wait_in"}> : () -> ()
          %mul3A_575 = arith.constant 128 : i32
          %mul3A_576 = arith.muli %mul3A_575, %add3A_266 : i32
          %rem3A_577 = arith.constant 2 : i32
          %rem3A_578 = arith.remui %scan3A_252, %rem3A_577 : i32
          %dma_wait3A_579 = arith.constant 0 : i32
          %dma_wait3A_580 = arith.constant 0 : i32
          %dma_wait3A_581 = tpu.memref_slice %run_scoped3A_8[%rem3A_578, %dma_wait3A_579, %dma_wait3A_580] : memref<2x128x33xf32, #tpu.memory_space<vmem>> -> memref<1x128x33xf32, #tpu.memory_space<vmem>>
          %dma_wait3A_582 = tpu.memref_squeeze %dma_wait3A_581 : memref<1x128x33xf32, #tpu.memory_space<vmem>> -> memref<128x33xf32, #tpu.memory_space<vmem>>
          %dma_wait3A_583 = arith.constant 0 : i32
          %dma_wait3A_584 = tpu.memref_slice %arg3[%mul3A_576, %dma_wait3A_583] : memref<2048x33xf32, #tpu.memory_space<hbm>> -> memref<128x33xf32, #tpu.memory_space<hbm>>
          %dma_wait3A_585 = tpu.memref_slice %run_scoped3A_9[%rem3A_578] : memref<2x!tpu.dma_semaphore, #tpu.memory_space<semaphore_mem>> -> memref<1x!tpu.dma_semaphore, #tpu.memory_space<semaphore_mem>>
          %dma_wait3A_586 = tpu.memref_squeeze %dma_wait3A_585 : memref<1x!tpu.dma_semaphore, #tpu.memory_space<semaphore_mem>> -> memref<!tpu.dma_semaphore, #tpu.memory_space<semaphore_mem>>
          %dma_wait3A_587 = arith.constant 0 : i32
          %dma_wait3A_588 = arith.constant 0 : i32
          %dma_wait3A_589 = tpu.memref_slice %run_scoped3A_8[%rem3A_578, %dma_wait3A_587, %dma_wait3A_588] : memref<2x128x33xf32, #tpu.memory_space<vmem>> -> memref<1x128x33xf32, #tpu.memory_space<vmem>>
          %dma_wait3A_590 = tpu.memref_squeeze %dma_wait3A_589 : memref<1x128x33xf32, #tpu.memory_space<vmem>> -> memref<128x33xf32, #tpu.memory_space<vmem>>
          %dma_wait3A_591 = arith.constant 0 : i32
          %dma_wait3A_592 = tpu.memref_slice %arg3[%mul3A_576, %dma_wait3A_591] : memref<2048x33xf32, #tpu.memory_space<hbm>> -> memref<128x33xf32, #tpu.memory_space<hbm>>
          tpu.wait_dma2 semaphore(%dma_wait3A_586 : memref<!tpu.dma_semaphore, #tpu.memory_space<semaphore_mem>>) src(%dma_wait3A_592 : memref<128x33xf32, #tpu.memory_space<hbm>>) dst(%dma_wait3A_590 : memref<128x33xf32, #tpu.memory_space<vmem>>)
          "tpu.trace_stop"() : () -> ()
        } else {
        }
        %ne3A_399 = arith.cmpi ne, %add3A_266, %add3A_285 : i32
        %or3A_400 = arith.constant false
        %or3A_401 = arith.ori %or3A_400, %ne3A_399 : i1
        %or3A_402 = arith.constant false
        %or3A_403 = arith.ori %or3A_401, %or3A_402 : i1
        %or3A_404 = arith.ori %or3A_403, %eq3A_260 : i1
        %convert_element_type3A_405 = arith.extui %or3A_404 : i1 to i32
        %cond3A_406 = arith.constant 0 : i32
        %cond3A_407 = arith.cmpi ne, %convert_element_type3A_405, %cond3A_406 : i32
        scf.if %cond3A_407 {
          "tpu.trace_start"() <{level = 10 : i32, message = "ep_wait_in"}> : () -> ()
          %mul3A_575 = arith.constant 128 : i32
          %mul3A_576 = arith.muli %mul3A_575, %add3A_266 : i32
          %rem3A_577 = arith.constant 2 : i32
          %rem3A_578 = arith.remui %scan3A_254, %rem3A_577 : i32
          %dma_wait3A_579 = arith.constant 0 : i32
          %dma_wait3A_580 = arith.constant 0 : i32
          %dma_wait3A_581 = tpu.memref_slice %run_scoped3A_10[%rem3A_578, %dma_wait3A_579, %dma_wait3A_580] : memref<2x128x33xf32, #tpu.memory_space<vmem>> -> memref<1x128x33xf32, #tpu.memory_space<vmem>>
          %dma_wait3A_582 = tpu.memref_squeeze %dma_wait3A_581 : memref<1x128x33xf32, #tpu.memory_space<vmem>> -> memref<128x33xf32, #tpu.memory_space<vmem>>
          %dma_wait3A_583 = arith.constant 0 : i32
          %dma_wait3A_584 = tpu.memref_slice %arg4[%mul3A_576, %dma_wait3A_583] : memref<2048x33xf32, #tpu.memory_space<hbm>> -> memref<128x33xf32, #tpu.memory_space<hbm>>
          %dma_wait3A_585 = tpu.memref_slice %run_scoped3A_11[%rem3A_578] : memref<2x!tpu.dma_semaphore, #tpu.memory_space<semaphore_mem>> -> memref<1x!tpu.dma_semaphore, #tpu.memory_space<semaphore_mem>>
          %dma_wait3A_586 = tpu.memref_squeeze %dma_wait3A_585 : memref<1x!tpu.dma_semaphore, #tpu.memory_space<semaphore_mem>> -> memref<!tpu.dma_semaphore, #tpu.memory_space<semaphore_mem>>
          %dma_wait3A_587 = arith.constant 0 : i32
          %dma_wait3A_588 = arith.constant 0 : i32
          %dma_wait3A_589 = tpu.memref_slice %run_scoped3A_10[%rem3A_578, %dma_wait3A_587, %dma_wait3A_588] : memref<2x128x33xf32, #tpu.memory_space<vmem>> -> memref<1x128x33xf32, #tpu.memory_space<vmem>>
          %dma_wait3A_590 = tpu.memref_squeeze %dma_wait3A_589 : memref<1x128x33xf32, #tpu.memory_space<vmem>> -> memref<128x33xf32, #tpu.memory_space<vmem>>
          %dma_wait3A_591 = arith.constant 0 : i32
          %dma_wait3A_592 = tpu.memref_slice %arg4[%mul3A_576, %dma_wait3A_591] : memref<2048x33xf32, #tpu.memory_space<hbm>> -> memref<128x33xf32, #tpu.memory_space<hbm>>
          tpu.wait_dma2 semaphore(%dma_wait3A_586 : memref<!tpu.dma_semaphore, #tpu.memory_space<semaphore_mem>>) src(%dma_wait3A_592 : memref<128x33xf32, #tpu.memory_space<hbm>>) dst(%dma_wait3A_590 : memref<128x33xf32, #tpu.memory_space<vmem>>)
          "tpu.trace_stop"() : () -> ()
        } else {
        }
        %ne3A_408 = arith.cmpi ne, %add3A_264, %add3A_283 : i32
        %ne3A_409 = arith.cmpi ne, %add3A_266, %add3A_285 : i32
        %or3A_410 = arith.constant false
        %or3A_411 = arith.ori %or3A_410, %ne3A_408 : i1
        %or3A_412 = arith.ori %or3A_411, %ne3A_409 : i1
        %or3A_413 = arith.ori %or3A_412, %eq3A_260 : i1
        %convert_element_type3A_414 = arith.extui %or3A_413 : i1 to i32
        %cond3A_415 = arith.constant 0 : i32
        %cond3A_416 = arith.cmpi ne, %convert_element_type3A_414, %cond3A_415 : i32
        scf.if %cond3A_416 {
        } else {
        }
        %rem3A_417 = arith.constant 2 : i32
        %rem3A_418 = arith.remui %scan3A_250, %rem3A_417 : i32
        %rem3A_419 = arith.constant 2 : i32
        %rem3A_420 = arith.remui %scan3A_252, %rem3A_419 : i32
        %rem3A_421 = arith.constant 2 : i32
        %rem3A_422 = arith.remui %scan3A_254, %rem3A_421 : i32
        %rem3A_423 = arith.constant 2 : i32
        %rem3A_424 = arith.remui %scan3A_255, %rem3A_423 : i32
        "tpu.trace_start"() <{level = 10 : i32, message = "ep_run_kernel"}> : () -> ()
        %iota3A = tpu.iota {dimensions = array<i32: 0>} : vector<16xi32>
        %scan3A_425 = arith.constant 0 : i32
        %scan3A_426 = arith.constant 64 : i32
        %scan3A_427 = arith.addi %scan3A_425, %scan3A_426 : i32
        %scan3A_428 = arith.constant 1 : i32
        scf.for %scan3A_575 = %scan3A_425 to %scan3A_427 step %scan3A_428  : i32 {
          %mul3A_576 = arith.constant 1 : i32
          %mul3A_577 = arith.muli %scan3A_575, %mul3A_576 : i32
          %add3A_578 = arith.constant 0 : i32
          %add3A_579 = arith.addi %add3A_578, %mul3A_577 : i32
          %get3A = arith.constant 0 : i32
          %get3A_580 = arith.constant 0 : i32
          %get3A_581 = tpu.memref_slice %run_scoped3A[%rem3A_418, %get3A, %get3A_580] : memref<2x64x128xf32, #tpu.memory_space<vmem>> -> memref<1x64x128xf32, #tpu.memory_space<vmem>>
          %get3A_582 = tpu.memref_squeeze %get3A_581 : memref<1x64x128xf32, #tpu.memory_space<vmem>> -> memref<64x128xf32, #tpu.memory_space<vmem>>
          %get3A_583 = arith.index_cast %add3A_579 : i32 to index
          %get3A_584 = arith.constant 0 : index
          %get3A_585 = tpu.vector_load %get3A_582[%get3A_583, %get3A_584] {strides = array<i32>} : memref<64x128xf32, #tpu.memory_space<vmem>>, vector<16xf32>,
          %get3A_586 = arith.constant 0 : i32
          %get3A_587 = arith.constant 0 : i32
          %get3A_588 = tpu.memref_slice %run_scoped3A[%rem3A_418, %get3A_586, %get3A_587] : memref<2x64x128xf32, #tpu.memory_space<vmem>> -> memref<1x64x128xf32, #tpu.memory_space<vmem>>
          %get3A_589 = tpu.memref_squeeze %get3A_588 : memref<1x64x128xf32, #tpu.memory_space<vmem>> -> memref<64x128xf32, #tpu.memory_space<vmem>>
          %get3A_590 = arith.index_cast %add3A_579 : i32 to index
          %get3A_591 = arith.constant 16 : index
          %get3A_592 = tpu.vector_load %get3A_589[%get3A_590, %get3A_591] {strides = array<i32>} : memref<64x128xf32, #tpu.memory_space<vmem>>, vector<16xf32>,
          %get3A_593 = arith.constant 0 : i32
          %get3A_594 = arith.constant 0 : i32
          %get3A_595 = tpu.memref_slice %run_scoped3A[%rem3A_418, %get3A_593, %get3A_594] : memref<2x64x128xf32, #tpu.memory_space<vmem>> -> memref<1x64x128xf32, #tpu.memory_space<vmem>>
          %get3A_596 = tpu.memref_squeeze %get3A_595 : memref<1x64x128xf32, #tpu.memory_space<vmem>> -> memref<64x128xf32, #tpu.memory_space<vmem>>
          %get3A_597 = arith.index_cast %add3A_579 : i32 to index
          %get3A_598 = arith.constant 32 : index
          %get3A_599 = tpu.vector_load %get3A_596[%get3A_597, %get3A_598] {strides = array<i32>} : memref<64x128xf32, #tpu.memory_space<vmem>>, vector<16xf32>,
          %get3A_600 = arith.constant 0 : i32
          %get3A_601 = arith.constant 0 : i32
          %get3A_602 = tpu.memref_slice %run_scoped3A[%rem3A_418, %get3A_600, %get3A_601] : memref<2x64x128xf32, #tpu.memory_space<vmem>> -> memref<1x64x128xf32, #tpu.memory_space<vmem>>
          %get3A_603 = tpu.memref_squeeze %get3A_602 : memref<1x64x128xf32, #tpu.memory_space<vmem>> -> memref<64x128xf32, #tpu.memory_space<vmem>>
          %get3A_604 = arith.index_cast %add3A_579 : i32 to index
          %get3A_605 = arith.constant 48 : index
          %get3A_606 = tpu.vector_load %get3A_603[%get3A_604, %get3A_605] {strides = array<i32>} : memref<64x128xf32, #tpu.memory_space<vmem>>, vector<16xf32>,
          %get3A_607 = arith.constant 0 : i32
          %get3A_608 = arith.constant 0 : i32
          %get3A_609 = tpu.memref_slice %run_scoped3A[%rem3A_418, %get3A_607, %get3A_608] : memref<2x64x128xf32, #tpu.memory_space<vmem>> -> memref<1x64x128xf32, #tpu.memory_space<vmem>>
          %get3A_610 = tpu.memref_squeeze %get3A_609 : memref<1x64x128xf32, #tpu.memory_space<vmem>> -> memref<64x128xf32, #tpu.memory_space<vmem>>
          %get3A_611 = arith.index_cast %add3A_579 : i32 to index
          %get3A_612 = arith.constant 64 : index
          %get3A_613 = tpu.vector_load %get3A_610[%get3A_611, %get3A_612] {strides = array<i32>} : memref<64x128xf32, #tpu.memory_space<vmem>>, vector<16xf32>,
          %get3A_614 = arith.constant 0 : i32
          %get3A_615 = arith.constant 0 : i32
          %get3A_616 = tpu.memref_slice %run_scoped3A[%rem3A_418, %get3A_614, %get3A_615] : memref<2x64x128xf32, #tpu.memory_space<vmem>> -> memref<1x64x128xf32, #tpu.memory_space<vmem>>
          %get3A_617 = tpu.memref_squeeze %get3A_616 : memref<1x64x128xf32, #tpu.memory_space<vmem>> -> memref<64x128xf32, #tpu.memory_space<vmem>>
          %get3A_618 = arith.index_cast %add3A_579 : i32 to index
          %get3A_619 = arith.constant 80 : index
          %get3A_620 = tpu.vector_load %get3A_617[%get3A_618, %get3A_619] {strides = array<i32>} : memref<64x128xf32, #tpu.memory_space<vmem>>, vector<16xf32>,
          %get3A_621 = arith.constant 0 : i32
          %get3A_622 = arith.constant 0 : i32
          %get3A_623 = tpu.memref_slice %run_scoped3A[%rem3A_418, %get3A_621, %get3A_622] : memref<2x64x128xf32, #tpu.memory_space<vmem>> -> memref<1x64x128xf32, #tpu.memory_space<vmem>>
          %get3A_624 = tpu.memref_squeeze %get3A_623 : memref<1x64x128xf32, #tpu.memory_space<vmem>> -> memref<64x128xf32, #tpu.memory_space<vmem>>
          %get3A_625 = arith.index_cast %add3A_579 : i32 to index
          %get3A_626 = arith.constant 96 : index
          %get3A_627 = tpu.vector_load %get3A_624[%get3A_625, %get3A_626] {strides = array<i32>} : memref<64x128xf32, #tpu.memory_space<vmem>>, vector<16xf32>,
          %get3A_628 = arith.constant 0 : i32
          %get3A_629 = arith.constant 0 : i32
          %get3A_630 = tpu.memref_slice %run_scoped3A[%rem3A_418, %get3A_628, %get3A_629] : memref<2x64x128xf32, #tpu.memory_space<vmem>> -> memref<1x64x128xf32, #tpu.memory_space<vmem>>
          %get3A_631 = tpu.memref_squeeze %get3A_630 : memref<1x64x128xf32, #tpu.memory_space<vmem>> -> memref<64x128xf32, #tpu.memory_space<vmem>>
          %get3A_632 = arith.index_cast %add3A_579 : i32 to index
          %get3A_633 = arith.constant 112 : index
          %get3A_634 = tpu.vector_load %get3A_631[%get3A_632, %get3A_633] {strides = array<i32>} : memref<64x128xf32, #tpu.memory_space<vmem>>, vector<16xf32>,
          %add3A_635 = arith.constant 0 : i32
          %add3A_636 = vector.broadcast %add3A_635 : i32 to vector<16xi32>
          %add3A_637 = arith.addi %iota3A, %add3A_636 : vector<16xi32>
          %add3A_638 = arith.constant 16 : i32
          %add3A_639 = vector.broadcast %add3A_638 : i32 to vector<16xi32>
          %add3A_640 = arith.addi %iota3A, %add3A_639 : vector<16xi32>
          %add3A_641 = arith.constant 32 : i32
          %add3A_642 = vector.broadcast %add3A_641 : i32 to vector<16xi32>
          %add3A_643 = arith.addi %iota3A, %add3A_642 : vector<16xi32>
          %add3A_644 = arith.constant 48 : i32
          %add3A_645 = vector.broadcast %add3A_644 : i32 to vector<16xi32>
          %add3A_646 = arith.addi %iota3A, %add3A_645 : vector<16xi32>
          %add3A_647 = arith.constant 64 : i32
          %add3A_648 = vector.broadcast %add3A_647 : i32 to vector<16xi32>
          %add3A_649 = arith.addi %iota3A, %add3A_648 : vector<16xi32>
          %add3A_650 = arith.constant 80 : i32
          %add3A_651 = vector.broadcast %add3A_650 : i32 to vector<16xi32>
          %add3A_652 = arith.addi %iota3A, %add3A_651 : vector<16xi32>
          %add3A_653 = arith.constant 96 : i32
          %add3A_654 = vector.broadcast %add3A_653 : i32 to vector<16xi32>
          %add3A_655 = arith.addi %iota3A, %add3A_654 : vector<16xi32>
          %add3A_656 = arith.constant 112 : i32
          %add3A_657 = vector.broadcast %add3A_656 : i32 to vector<16xi32>
          %add3A_658 = arith.addi %iota3A, %add3A_657 : vector<16xi32>
          %broadcast_in_dim3A = arith.constant 0 : i32
          %broadcast_in_dim3A_659 = vector.broadcast %broadcast_in_dim3A : i32 to vector<16xi32>
          %add3A_660 = arith.constant 15 : i32
          %add3A_661 = vector.broadcast %add3A_660 : i32 to vector<16xi32>
          %add3A_662 = arith.addi %broadcast_in_dim3A_659, %add3A_661 : vector<16xi32>
          %gather3A = arith.constant 0 : i32
          %gather3A_663 = arith.constant 0 : i32
          %gather3A_664 = tpu.memref_slice %run_scoped3A_8[%rem3A_420, %gather3A, %gather3A_663] : memref<2x128x33xf32, #tpu.memory_space<vmem>> -> memref<1x128x33xf32, #tpu.memory_space<vmem>>
          %gather3A_665 = tpu.memref_squeeze %gather3A_664 : memref<1x128x33xf32, #tpu.memory_space<vmem>> -> memref<128x33xf32, #tpu.memory_space<vmem>>
          %gather3A_666 = tpu.vector_load_idx %gather3A_665[%add3A_637, %add3A_662] : memref<128x33xf32, #tpu.memory_space<vmem>>[vector<16xi32>, vector<16xi32>], vector<16xf32>,
          %add3A_667 = arith.constant 15 : i32
          %add3A_668 = vector.broadcast %add3A_667 : i32 to vector<16xi32>
          %add3A_669 = arith.addi %broadcast_in_dim3A_659, %add3A_668 : vector<16xi32>
          %gather3A_670 = arith.constant 0 : i32
          %gather3A_671 = arith.constant 0 : i32
          %gather3A_672 = tpu.memref_slice %run_scoped3A_8[%rem3A_420, %gather3A_670, %gather3A_671] : memref<2x128x33xf32, #tpu.memory_space<vmem>> -> memref<1x128x33xf32, #tpu.memory_space<vmem>>
          %gather3A_673 = tpu.memref_squeeze %gather3A_672 : memref<1x128x33xf32, #tpu.memory_space<vmem>> -> memref<128x33xf32, #tpu.memory_space<vmem>>
          %gather3A_674 = tpu.vector_load_idx %gather3A_673[%add3A_640, %add3A_669] : memref<128x33xf32, #tpu.memory_space<vmem>>[vector<16xi32>, vector<16xi32>], vector<16xf32>,
          %add3A_675 = arith.constant 15 : i32
          %add3A_676 = vector.broadcast %add3A_675 : i32 to vector<16xi32>
          %add3A_677 = arith.addi %broadcast_in_dim3A_659, %add3A_676 : vector<16xi32>
          %gather3A_678 = arith.constant 0 : i32
          %gather3A_679 = arith.constant 0 : i32
          %gather3A_680 = tpu.memref_slice %run_scoped3A_8[%rem3A_420, %gather3A_678, %gather3A_679] : memref<2x128x33xf32, #tpu.memory_space<vmem>> -> memref<1x128x33xf32, #tpu.memory_space<vmem>>
          %gather3A_681 = tpu.memref_squeeze %gather3A_680 : memref<1x128x33xf32, #tpu.memory_space<vmem>> -> memref<128x33xf32, #tpu.memory_space<vmem>>
          %gather3A_682 = tpu.vector_load_idx %gather3A_681[%add3A_643, %add3A_677] : memref<128x33xf32, #tpu.memory_space<vmem>>[vector<16xi32>, vector<16xi32>], vector<16xf32>,
          %add3A_683 = arith.constant 15 : i32
          %add3A_684 = vector.broadcast %add3A_683 : i32 to vector<16xi32>
          %add3A_685 = arith.addi %broadcast_in_dim3A_659, %add3A_684 : vector<16xi32>
          %gather3A_686 = arith.constant 0 : i32
          %gather3A_687 = arith.constant 0 : i32
          %gather3A_688 = tpu.memref_slice %run_scoped3A_8[%rem3A_420, %gather3A_686, %gather3A_687] : memref<2x128x33xf32, #tpu.memory_space<vmem>> -> memref<1x128x33xf32, #tpu.memory_space<vmem>>
          %gather3A_689 = tpu.memref_squeeze %gather3A_688 : memref<1x128x33xf32, #tpu.memory_space<vmem>> -> memref<128x33xf32, #tpu.memory_space<vmem>>
          %gather3A_690 = tpu.vector_load_idx %gather3A_689[%add3A_646, %add3A_685] : memref<128x33xf32, #tpu.memory_space<vmem>>[vector<16xi32>, vector<16xi32>], vector<16xf32>,
          %add3A_691 = arith.constant 15 : i32
          %add3A_692 = vector.broadcast %add3A_691 : i32 to vector<16xi32>
          %add3A_693 = arith.addi %broadcast_in_dim3A_659, %add3A_692 : vector<16xi32>
          %gather3A_694 = arith.constant 0 : i32
          %gather3A_695 = arith.constant 0 : i32
          %gather3A_696 = tpu.memref_slice %run_scoped3A_8[%rem3A_420, %gather3A_694, %gather3A_695] : memref<2x128x33xf32, #tpu.memory_space<vmem>> -> memref<1x128x33xf32, #tpu.memory_space<vmem>>
          %gather3A_697 = tpu.memref_squeeze %gather3A_696 : memref<1x128x33xf32, #tpu.memory_space<vmem>> -> memref<128x33xf32, #tpu.memory_space<vmem>>
          %gather3A_698 = tpu.vector_load_idx %gather3A_697[%add3A_649, %add3A_693] : memref<128x33xf32, #tpu.memory_space<vmem>>[vector<16xi32>, vector<16xi32>], vector<16xf32>,
          %add3A_699 = arith.constant 15 : i32
          %add3A_700 = vector.broadcast %add3A_699 : i32 to vector<16xi32>
          %add3A_701 = arith.addi %broadcast_in_dim3A_659, %add3A_700 : vector<16xi32>
          %gather3A_702 = arith.constant 0 : i32
          %gather3A_703 = arith.constant 0 : i32
          %gather3A_704 = tpu.memref_slice %run_scoped3A_8[%rem3A_420, %gather3A_702, %gather3A_703] : memref<2x128x33xf32, #tpu.memory_space<vmem>> -> memref<1x128x33xf32, #tpu.memory_space<vmem>>
          %gather3A_705 = tpu.memref_squeeze %gather3A_704 : memref<1x128x33xf32, #tpu.memory_space<vmem>> -> memref<128x33xf32, #tpu.memory_space<vmem>>
          %gather3A_706 = tpu.vector_load_idx %gather3A_705[%add3A_652, %add3A_701] : memref<128x33xf32, #tpu.memory_space<vmem>>[vector<16xi32>, vector<16xi32>], vector<16xf32>,
          %add3A_707 = arith.constant 15 : i32
          %add3A_708 = vector.broadcast %add3A_707 : i32 to vector<16xi32>
          %add3A_709 = arith.addi %broadcast_in_dim3A_659, %add3A_708 : vector<16xi32>
          %gather3A_710 = arith.constant 0 : i32
          %gather3A_711 = arith.constant 0 : i32
          %gather3A_712 = tpu.memref_slice %run_scoped3A_8[%rem3A_420, %gather3A_710, %gather3A_711] : memref<2x128x33xf32, #tpu.memory_space<vmem>> -> memref<1x128x33xf32, #tpu.memory_space<vmem>>
          %gather3A_713 = tpu.memref_squeeze %gather3A_712 : memref<1x128x33xf32, #tpu.memory_space<vmem>> -> memref<128x33xf32, #tpu.memory_space<vmem>>
          %gather3A_714 = tpu.vector_load_idx %gather3A_713[%add3A_655, %add3A_709] : memref<128x33xf32, #tpu.memory_space<vmem>>[vector<16xi32>, vector<16xi32>], vector<16xf32>,
          %add3A_715 = arith.constant 15 : i32
          %add3A_716 = vector.broadcast %add3A_715 : i32 to vector<16xi32>
          %add3A_717 = arith.addi %broadcast_in_dim3A_659, %add3A_716 : vector<16xi32>
          %gather3A_718 = arith.constant 0 : i32
          %gather3A_719 = arith.constant 0 : i32
          %gather3A_720 = tpu.memref_slice %run_scoped3A_8[%rem3A_420, %gather3A_718, %gather3A_719] : memref<2x128x33xf32, #tpu.memory_space<vmem>> -> memref<1x128x33xf32, #tpu.memory_space<vmem>>
          %gather3A_721 = tpu.memref_squeeze %gather3A_720 : memref<1x128x33xf32, #tpu.memory_space<vmem>> -> memref<128x33xf32, #tpu.memory_space<vmem>>
          %gather3A_722 = tpu.vector_load_idx %gather3A_721[%add3A_658, %add3A_717] : memref<128x33xf32, #tpu.memory_space<vmem>>[vector<16xi32>, vector<16xi32>], vector<16xf32>,
          %gt3A = arith.cmpf ogt, %get3A_585, %gather3A_666 : vector<16xf32>
          %jit3A = arith.constant 16 : i32
          %jit3A_723 = arith.constant 0 : i32
          %broadcast_in_dim3A_724 = vector.broadcast %jit3A : i32 to vector<16xi32>
          %broadcast_in_dim3A_725 = vector.broadcast %jit3A_723 : i32 to vector<16xi32>
          %select_n3A_726 = arith.select %gt3A, %broadcast_in_dim3A_724, %broadcast_in_dim3A_725 : vector<16xi1>, vector<16xi32>
          %add3A_727 = arith.addi %broadcast_in_dim3A_659, %select_n3A_726 : vector<16xi32>
          %gt3A_728 = arith.cmpf ogt, %get3A_592, %gather3A_674 : vector<16xf32>
          %jit3A_729 = arith.constant 16 : i32
          %jit3A_730 = arith.constant 0 : i32
          %broadcast_in_dim3A_731 = vector.broadcast %jit3A_729 : i32 to vector<16xi32>
          %broadcast_in_dim3A_732 = vector.broadcast %jit3A_730 : i32 to vector<16xi32>
          %select_n3A_733 = arith.select %gt3A_728, %broadcast_in_dim3A_731, %broadcast_in_dim3A_732 : vector<16xi1>, vector<16xi32>
          %add3A_734 = arith.addi %broadcast_in_dim3A_659, %select_n3A_733 : vector<16xi32>
          %gt3A_735 = arith.cmpf ogt, %get3A_599, %gather3A_682 : vector<16xf32>
          %jit3A_736 = arith.constant 16 : i32
          %jit3A_737 = arith.constant 0 : i32
          %broadcast_in_dim3A_738 = vector.broadcast %jit3A_736 : i32 to vector<16xi32>
          %broadcast_in_dim3A_739 = vector.broadcast %jit3A_737 : i32 to vector<16xi32>
          %select_n3A_740 = arith.select %gt3A_735, %broadcast_in_dim3A_738, %broadcast_in_dim3A_739 : vector<16xi1>, vector<16xi32>
          %add3A_741 = arith.addi %broadcast_in_dim3A_659, %select_n3A_740 : vector<16xi32>
          %gt3A_742 = arith.cmpf ogt, %get3A_606, %gather3A_690 : vector<16xf32>
          %jit3A_743 = arith.constant 16 : i32
          %jit3A_744 = arith.constant 0 : i32
          %broadcast_in_dim3A_745 = vector.broadcast %jit3A_743 : i32 to vector<16xi32>
          %broadcast_in_dim3A_746 = vector.broadcast %jit3A_744 : i32 to vector<16xi32>
          %select_n3A_747 = arith.select %gt3A_742, %broadcast_in_dim3A_745, %broadcast_in_dim3A_746 : vector<16xi1>, vector<16xi32>
          %add3A_748 = arith.addi %broadcast_in_dim3A_659, %select_n3A_747 : vector<16xi32>
          %gt3A_749 = arith.cmpf ogt, %get3A_613, %gather3A_698 : vector<16xf32>
          %jit3A_750 = arith.constant 16 : i32
          %jit3A_751 = arith.constant 0 : i32
          %broadcast_in_dim3A_752 = vector.broadcast %jit3A_750 : i32 to vector<16xi32>
          %broadcast_in_dim3A_753 = vector.broadcast %jit3A_751 : i32 to vector<16xi32>
          %select_n3A_754 = arith.select %gt3A_749, %broadcast_in_dim3A_752, %broadcast_in_dim3A_753 : vector<16xi1>, vector<16xi32>
          %add3A_755 = arith.addi %broadcast_in_dim3A_659, %select_n3A_754 : vector<16xi32>
          %gt3A_756 = arith.cmpf ogt, %get3A_620, %gather3A_706 : vector<16xf32>
          %jit3A_757 = arith.constant 16 : i32
          %jit3A_758 = arith.constant 0 : i32
          %broadcast_in_dim3A_759 = vector.broadcast %jit3A_757 : i32 to vector<16xi32>
          %broadcast_in_dim3A_760 = vector.broadcast %jit3A_758 : i32 to vector<16xi32>
          %select_n3A_761 = arith.select %gt3A_756, %broadcast_in_dim3A_759, %broadcast_in_dim3A_760 : vector<16xi1>, vector<16xi32>
          %add3A_762 = arith.addi %broadcast_in_dim3A_659, %select_n3A_761 : vector<16xi32>
          %gt3A_763 = arith.cmpf ogt, %get3A_627, %gather3A_714 : vector<16xf32>
          %jit3A_764 = arith.constant 16 : i32
          %jit3A_765 = arith.constant 0 : i32
          %broadcast_in_dim3A_766 = vector.broadcast %jit3A_764 : i32 to vector<16xi32>
          %broadcast_in_dim3A_767 = vector.broadcast %jit3A_765 : i32 to vector<16xi32>
          %select_n3A_768 = arith.select %gt3A_763, %broadcast_in_dim3A_766, %broadcast_in_dim3A_767 : vector<16xi1>, vector<16xi32>
          %add3A_769 = arith.addi %broadcast_in_dim3A_659, %select_n3A_768 : vector<16xi32>
          %gt3A_770 = arith.cmpf ogt, %get3A_634, %gather3A_722 : vector<16xf32>
          %jit3A_771 = arith.constant 16 : i32
          %jit3A_772 = arith.constant 0 : i32
          %broadcast_in_dim3A_773 = vector.broadcast %jit3A_771 : i32 to vector<16xi32>
          %broadcast_in_dim3A_774 = vector.broadcast %jit3A_772 : i32 to vector<16xi32>
          %select_n3A_775 = arith.select %gt3A_770, %broadcast_in_dim3A_773, %broadcast_in_dim3A_774 : vector<16xi1>, vector<16xi32>
          %add3A_776 = arith.addi %broadcast_in_dim3A_659, %select_n3A_775 : vector<16xi32>
          %add3A_777 = arith.constant 7 : i32
          %add3A_778 = vector.broadcast %add3A_777 : i32 to vector<16xi32>
          %add3A_779 = arith.addi %add3A_727, %add3A_778 : vector<16xi32>
          %gather3A_780 = arith.constant 0 : i32
          %gather3A_781 = arith.constant 0 : i32
          %gather3A_782 = tpu.memref_slice %run_scoped3A_8[%rem3A_420, %gather3A_780, %gather3A_781] : memref<2x128x33xf32, #tpu.memory_space<vmem>> -> memref<1x128x33xf32, #tpu.memory_space<vmem>>
          %gather3A_783 = tpu.memref_squeeze %gather3A_782 : memref<1x128x33xf32, #tpu.memory_space<vmem>> -> memref<128x33xf32, #tpu.memory_space<vmem>>
          %gather3A_784 = tpu.vector_load_idx %gather3A_783[%add3A_637, %add3A_779] : memref<128x33xf32, #tpu.memory_space<vmem>>[vector<16xi32>, vector<16xi32>], vector<16xf32>,
          %add3A_785 = arith.constant 7 : i32
          %add3A_786 = vector.broadcast %add3A_785 : i32 to vector<16xi32>
          %add3A_787 = arith.addi %add3A_734, %add3A_786 : vector<16xi32>
          %gather3A_788 = arith.constant 0 : i32
          %gather3A_789 = arith.constant 0 : i32
          %gather3A_790 = tpu.memref_slice %run_scoped3A_8[%rem3A_420, %gather3A_788, %gather3A_789] : memref<2x128x33xf32, #tpu.memory_space<vmem>> -> memref<1x128x33xf32, #tpu.memory_space<vmem>>
          %gather3A_791 = tpu.memref_squeeze %gather3A_790 : memref<1x128x33xf32, #tpu.memory_space<vmem>> -> memref<128x33xf32, #tpu.memory_space<vmem>>
          %gather3A_792 = tpu.vector_load_idx %gather3A_791[%add3A_640, %add3A_787] : memref<128x33xf32, #tpu.memory_space<vmem>>[vector<16xi32>, vector<16xi32>], vector<16xf32>,
          %add3A_793 = arith.constant 7 : i32
          %add3A_794 = vector.broadcast %add3A_793 : i32 to vector<16xi32>
          %add3A_795 = arith.addi %add3A_741, %add3A_794 : vector<16xi32>
          %gather3A_796 = arith.constant 0 : i32
          %gather3A_797 = arith.constant 0 : i32
          %gather3A_798 = tpu.memref_slice %run_scoped3A_8[%rem3A_420, %gather3A_796, %gather3A_797] : memref<2x128x33xf32, #tpu.memory_space<vmem>> -> memref<1x128x33xf32, #tpu.memory_space<vmem>>
          %gather3A_799 = tpu.memref_squeeze %gather3A_798 : memref<1x128x33xf32, #tpu.memory_space<vmem>> -> memref<128x33xf32, #tpu.memory_space<vmem>>
          %gather3A_800 = tpu.vector_load_idx %gather3A_799[%add3A_643, %add3A_795] : memref<128x33xf32, #tpu.memory_space<vmem>>[vector<16xi32>, vector<16xi32>], vector<16xf32>,
          %add3A_801 = arith.constant 7 : i32
          %add3A_802 = vector.broadcast %add3A_801 : i32 to vector<16xi32>
          %add3A_803 = arith.addi %add3A_748, %add3A_802 : vector<16xi32>
          %gather3A_804 = arith.constant 0 : i32
          %gather3A_805 = arith.constant 0 : i32
          %gather3A_806 = tpu.memref_slice %run_scoped3A_8[%rem3A_420, %gather3A_804, %gather3A_805] : memref<2x128x33xf32, #tpu.memory_space<vmem>> -> memref<1x128x33xf32, #tpu.memory_space<vmem>>
          %gather3A_807 = tpu.memref_squeeze %gather3A_806 : memref<1x128x33xf32, #tpu.memory_space<vmem>> -> memref<128x33xf32, #tpu.memory_space<vmem>>
          %gather3A_808 = tpu.vector_load_idx %gather3A_807[%add3A_646, %add3A_803] : memref<128x33xf32, #tpu.memory_space<vmem>>[vector<16xi32>, vector<16xi32>], vector<16xf32>,
          %add3A_809 = arith.constant 7 : i32
          %add3A_810 = vector.broadcast %add3A_809 : i32 to vector<16xi32>
          %add3A_811 = arith.addi %add3A_755, %add3A_810 : vector<16xi32>
          %gather3A_812 = arith.constant 0 : i32
          %gather3A_813 = arith.constant 0 : i32
          %gather3A_814 = tpu.memref_slice %run_scoped3A_8[%rem3A_420, %gather3A_812, %gather3A_813] : memref<2x128x33xf32, #tpu.memory_space<vmem>> -> memref<1x128x33xf32, #tpu.memory_space<vmem>>
          %gather3A_815 = tpu.memref_squeeze %gather3A_814 : memref<1x128x33xf32, #tpu.memory_space<vmem>> -> memref<128x33xf32, #tpu.memory_space<vmem>>
          %gather3A_816 = tpu.vector_load_idx %gather3A_815[%add3A_649, %add3A_811] : memref<128x33xf32, #tpu.memory_space<vmem>>[vector<16xi32>, vector<16xi32>], vector<16xf32>,
          %add3A_817 = arith.constant 7 : i32
          %add3A_818 = vector.broadcast %add3A_817 : i32 to vector<16xi32>
          %add3A_819 = arith.addi %add3A_762, %add3A_818 : vector<16xi32>
          %gather3A_820 = arith.constant 0 : i32
          %gather3A_821 = arith.constant 0 : i32
          %gather3A_822 = tpu.memref_slice %run_scoped3A_8[%rem3A_420, %gather3A_820, %gather3A_821] : memref<2x128x33xf32, #tpu.memory_space<vmem>> -> memref<1x128x33xf32, #tpu.memory_space<vmem>>
          %gather3A_823 = tpu.memref_squeeze %gather3A_822 : memref<1x128x33xf32, #tpu.memory_space<vmem>> -> memref<128x33xf32, #tpu.memory_space<vmem>>
          %gather3A_824 = tpu.vector_load_idx %gather3A_823[%add3A_652, %add3A_819] : memref<128x33xf32, #tpu.memory_space<vmem>>[vector<16xi32>, vector<16xi32>], vector<16xf32>,
          %add3A_825 = arith.constant 7 : i32
          %add3A_826 = vector.broadcast %add3A_825 : i32 to vector<16xi32>
          %add3A_827 = arith.addi %add3A_769, %add3A_826 : vector<16xi32>
          %gather3A_828 = arith.constant 0 : i32
          %gather3A_829 = arith.constant 0 : i32
          %gather3A_830 = tpu.memref_slice %run_scoped3A_8[%rem3A_420, %gather3A_828, %gather3A_829] : memref<2x128x33xf32, #tpu.memory_space<vmem>> -> memref<1x128x33xf32, #tpu.memory_space<vmem>>
          %gather3A_831 = tpu.memref_squeeze %gather3A_830 : memref<1x128x33xf32, #tpu.memory_space<vmem>> -> memref<128x33xf32, #tpu.memory_space<vmem>>
          %gather3A_832 = tpu.vector_load_idx %gather3A_831[%add3A_655, %add3A_827] : memref<128x33xf32, #tpu.memory_space<vmem>>[vector<16xi32>, vector<16xi32>], vector<16xf32>,
          %add3A_833 = arith.constant 7 : i32
          %add3A_834 = vector.broadcast %add3A_833 : i32 to vector<16xi32>
          %add3A_835 = arith.addi %add3A_776, %add3A_834 : vector<16xi32>
          %gather3A_836 = arith.constant 0 : i32
          %gather3A_837 = arith.constant 0 : i32
          %gather3A_838 = tpu.memref_slice %run_scoped3A_8[%rem3A_420, %gather3A_836, %gather3A_837] : memref<2x128x33xf32, #tpu.memory_space<vmem>> -> memref<1x128x33xf32, #tpu.memory_space<vmem>>
          %gather3A_839 = tpu.memref_squeeze %gather3A_838 : memref<1x128x33xf32, #tpu.memory_space<vmem>> -> memref<128x33xf32, #tpu.memory_space<vmem>>
          %gather3A_840 = tpu.vector_load_idx %gather3A_839[%add3A_658, %add3A_835] : memref<128x33xf32, #tpu.memory_space<vmem>>[vector<16xi32>, vector<16xi32>], vector<16xf32>,
          %gt3A_841 = arith.cmpf ogt, %get3A_585, %gather3A_784 : vector<16xf32>
          %jit3A_842 = arith.constant 8 : i32
          %jit3A_843 = arith.constant 0 : i32
          %broadcast_in_dim3A_844 = vector.broadcast %jit3A_842 : i32 to vector<16xi32>
          %broadcast_in_dim3A_845 = vector.broadcast %jit3A_843 : i32 to vector<16xi32>
          %select_n3A_846 = arith.select %gt3A_841, %broadcast_in_dim3A_844, %broadcast_in_dim3A_845 : vector<16xi1>, vector<16xi32>
          %add3A_847 = arith.addi %add3A_727, %select_n3A_846 : vector<16xi32>
          %gt3A_848 = arith.cmpf ogt, %get3A_592, %gather3A_792 : vector<16xf32>
          %jit3A_849 = arith.constant 8 : i32
          %jit3A_850 = arith.constant 0 : i32
          %broadcast_in_dim3A_851 = vector.broadcast %jit3A_849 : i32 to vector<16xi32>
          %broadcast_in_dim3A_852 = vector.broadcast %jit3A_850 : i32 to vector<16xi32>
          %select_n3A_853 = arith.select %gt3A_848, %broadcast_in_dim3A_851, %broadcast_in_dim3A_852 : vector<16xi1>, vector<16xi32>
          %add3A_854 = arith.addi %add3A_734, %select_n3A_853 : vector<16xi32>
          %gt3A_855 = arith.cmpf ogt, %get3A_599, %gather3A_800 : vector<16xf32>
          %jit3A_856 = arith.constant 8 : i32
          %jit3A_857 = arith.constant 0 : i32
          %broadcast_in_dim3A_858 = vector.broadcast %jit3A_856 : i32 to vector<16xi32>
          %broadcast_in_dim3A_859 = vector.broadcast %jit3A_857 : i32 to vector<16xi32>
          %select_n3A_860 = arith.select %gt3A_855, %broadcast_in_dim3A_858, %broadcast_in_dim3A_859 : vector<16xi1>, vector<16xi32>
          %add3A_861 = arith.addi %add3A_741, %select_n3A_860 : vector<16xi32>
          %gt3A_862 = arith.cmpf ogt, %get3A_606, %gather3A_808 : vector<16xf32>
          %jit3A_863 = arith.constant 8 : i32
          %jit3A_864 = arith.constant 0 : i32
          %broadcast_in_dim3A_865 = vector.broadcast %jit3A_863 : i32 to vector<16xi32>
          %broadcast_in_dim3A_866 = vector.broadcast %jit3A_864 : i32 to vector<16xi32>
          %select_n3A_867 = arith.select %gt3A_862, %broadcast_in_dim3A_865, %broadcast_in_dim3A_866 : vector<16xi1>, vector<16xi32>
          %add3A_868 = arith.addi %add3A_748, %select_n3A_867 : vector<16xi32>
          %gt3A_869 = arith.cmpf ogt, %get3A_613, %gather3A_816 : vector<16xf32>
          %jit3A_870 = arith.constant 8 : i32
          %jit3A_871 = arith.constant 0 : i32
          %broadcast_in_dim3A_872 = vector.broadcast %jit3A_870 : i32 to vector<16xi32>
          %broadcast_in_dim3A_873 = vector.broadcast %jit3A_871 : i32 to vector<16xi32>
          %select_n3A_874 = arith.select %gt3A_869, %broadcast_in_dim3A_872, %broadcast_in_dim3A_873 : vector<16xi1>, vector<16xi32>
          %add3A_875 = arith.addi %add3A_755, %select_n3A_874 : vector<16xi32>
          %gt3A_876 = arith.cmpf ogt, %get3A_620, %gather3A_824 : vector<16xf32>
          %jit3A_877 = arith.constant 8 : i32
          %jit3A_878 = arith.constant 0 : i32
          %broadcast_in_dim3A_879 = vector.broadcast %jit3A_877 : i32 to vector<16xi32>
          %broadcast_in_dim3A_880 = vector.broadcast %jit3A_878 : i32 to vector<16xi32>
          %select_n3A_881 = arith.select %gt3A_876, %broadcast_in_dim3A_879, %broadcast_in_dim3A_880 : vector<16xi1>, vector<16xi32>
          %add3A_882 = arith.addi %add3A_762, %select_n3A_881 : vector<16xi32>
          %gt3A_883 = arith.cmpf ogt, %get3A_627, %gather3A_832 : vector<16xf32>
          %jit3A_884 = arith.constant 8 : i32
          %jit3A_885 = arith.constant 0 : i32
          %broadcast_in_dim3A_886 = vector.broadcast %jit3A_884 : i32 to vector<16xi32>
          %broadcast_in_dim3A_887 = vector.broadcast %jit3A_885 : i32 to vector<16xi32>
          %select_n3A_888 = arith.select %gt3A_883, %broadcast_in_dim3A_886, %broadcast_in_dim3A_887 : vector<16xi1>, vector<16xi32>
          %add3A_889 = arith.addi %add3A_769, %select_n3A_888 : vector<16xi32>
          %gt3A_890 = arith.cmpf ogt, %get3A_634, %gather3A_840 : vector<16xf32>
          %jit3A_891 = arith.constant 8 : i32
          %jit3A_892 = arith.constant 0 : i32
          %broadcast_in_dim3A_893 = vector.broadcast %jit3A_891 : i32 to vector<16xi32>
          %broadcast_in_dim3A_894 = vector.broadcast %jit3A_892 : i32 to vector<16xi32>
          %select_n3A_895 = arith.select %gt3A_890, %broadcast_in_dim3A_893, %broadcast_in_dim3A_894 : vector<16xi1>, vector<16xi32>
          %add3A_896 = arith.addi %add3A_776, %select_n3A_895 : vector<16xi32>
          %add3A_897 = arith.constant 3 : i32
          %add3A_898 = vector.broadcast %add3A_897 : i32 to vector<16xi32>
          %add3A_899 = arith.addi %add3A_847, %add3A_898 : vector<16xi32>
          %gather3A_900 = arith.constant 0 : i32
          %gather3A_901 = arith.constant 0 : i32
          %gather3A_902 = tpu.memref_slice %run_scoped3A_8[%rem3A_420, %gather3A_900, %gather3A_901] : memref<2x128x33xf32, #tpu.memory_space<vmem>> -> memref<1x128x33xf32, #tpu.memory_space<vmem>>
          %gather3A_903 = tpu.memref_squeeze %gather3A_902 : memref<1x128x33xf32, #tpu.memory_space<vmem>> -> memref<128x33xf32, #tpu.memory_space<vmem>>
          %gather3A_904 = tpu.vector_load_idx %gather3A_903[%add3A_637, %add3A_899] : memref<128x33xf32, #tpu.memory_space<vmem>>[vector<16xi32>, vector<16xi32>], vector<16xf32>,
          %add3A_905 = arith.constant 3 : i32
          %add3A_906 = vector.broadcast %add3A_905 : i32 to vector<16xi32>
          %add3A_907 = arith.addi %add3A_854, %add3A_906 : vector<16xi32>
          %gather3A_908 = arith.constant 0 : i32
          %gather3A_909 = arith.constant 0 : i32
          %gather3A_910 = tpu.memref_slice %run_scoped3A_8[%rem3A_420, %gather3A_908, %gather3A_909] : memref<2x128x33xf32, #tpu.memory_space<vmem>> -> memref<1x128x33xf32, #tpu.memory_space<vmem>>
          %gather3A_911 = tpu.memref_squeeze %gather3A_910 : memref<1x128x33xf32, #tpu.memory_space<vmem>> -> memref<128x33xf32, #tpu.memory_space<vmem>>
          %gather3A_912 = tpu.vector_load_idx %gather3A_911[%add3A_640, %add3A_907] : memref<128x33xf32, #tpu.memory_space<vmem>>[vector<16xi32>, vector<16xi32>], vector<16xf32>,
          %add3A_913 = arith.constant 3 : i32
          %add3A_914 = vector.broadcast %add3A_913 : i32 to vector<16xi32>
          %add3A_915 = arith.addi %add3A_861, %add3A_914 : vector<16xi32>
          %gather3A_916 = arith.constant 0 : i32
          %gather3A_917 = arith.constant 0 : i32
          %gather3A_918 = tpu.memref_slice %run_scoped3A_8[%rem3A_420, %gather3A_916, %gather3A_917] : memref<2x128x33xf32, #tpu.memory_space<vmem>> -> memref<1x128x33xf32, #tpu.memory_space<vmem>>
          %gather3A_919 = tpu.memref_squeeze %gather3A_918 : memref<1x128x33xf32, #tpu.memory_space<vmem>> -> memref<128x33xf32, #tpu.memory_space<vmem>>
          %gather3A_920 = tpu.vector_load_idx %gather3A_919[%add3A_643, %add3A_915] : memref<128x33xf32, #tpu.memory_space<vmem>>[vector<16xi32>, vector<16xi32>], vector<16xf32>,
          %add3A_921 = arith.constant 3 : i32
          %add3A_922 = vector.broadcast %add3A_921 : i32 to vector<16xi32>
          %add3A_923 = arith.addi %add3A_868, %add3A_922 : vector<16xi32>
          %gather3A_924 = arith.constant 0 : i32
          %gather3A_925 = arith.constant 0 : i32
          %gather3A_926 = tpu.memref_slice %run_scoped3A_8[%rem3A_420, %gather3A_924, %gather3A_925] : memref<2x128x33xf32, #tpu.memory_space<vmem>> -> memref<1x128x33xf32, #tpu.memory_space<vmem>>
          %gather3A_927 = tpu.memref_squeeze %gather3A_926 : memref<1x128x33xf32, #tpu.memory_space<vmem>> -> memref<128x33xf32, #tpu.memory_space<vmem>>
          %gather3A_928 = tpu.vector_load_idx %gather3A_927[%add3A_646, %add3A_923] : memref<128x33xf32, #tpu.memory_space<vmem>>[vector<16xi32>, vector<16xi32>], vector<16xf32>,
          %add3A_929 = arith.constant 3 : i32
          %add3A_930 = vector.broadcast %add3A_929 : i32 to vector<16xi32>
          %add3A_931 = arith.addi %add3A_875, %add3A_930 : vector<16xi32>
          %gather3A_932 = arith.constant 0 : i32
          %gather3A_933 = arith.constant 0 : i32
          %gather3A_934 = tpu.memref_slice %run_scoped3A_8[%rem3A_420, %gather3A_932, %gather3A_933] : memref<2x128x33xf32, #tpu.memory_space<vmem>> -> memref<1x128x33xf32, #tpu.memory_space<vmem>>
          %gather3A_935 = tpu.memref_squeeze %gather3A_934 : memref<1x128x33xf32, #tpu.memory_space<vmem>> -> memref<128x33xf32, #tpu.memory_space<vmem>>
          %gather3A_936 = tpu.vector_load_idx %gather3A_935[%add3A_649, %add3A_931] : memref<128x33xf32, #tpu.memory_space<vmem>>[vector<16xi32>, vector<16xi32>], vector<16xf32>,
          %add3A_937 = arith.constant 3 : i32
          %add3A_938 = vector.broadcast %add3A_937 : i32 to vector<16xi32>
          %add3A_939 = arith.addi %add3A_882, %add3A_938 : vector<16xi32>
          %gather3A_940 = arith.constant 0 : i32
          %gather3A_941 = arith.constant 0 : i32
          %gather3A_942 = tpu.memref_slice %run_scoped3A_8[%rem3A_420, %gather3A_940, %gather3A_941] : memref<2x128x33xf32, #tpu.memory_space<vmem>> -> memref<1x128x33xf32, #tpu.memory_space<vmem>>
          %gather3A_943 = tpu.memref_squeeze %gather3A_942 : memref<1x128x33xf32, #tpu.memory_space<vmem>> -> memref<128x33xf32, #tpu.memory_space<vmem>>
          %gather3A_944 = tpu.vector_load_idx %gather3A_943[%add3A_652, %add3A_939] : memref<128x33xf32, #tpu.memory_space<vmem>>[vector<16xi32>, vector<16xi32>], vector<16xf32>,
          %add3A_945 = arith.constant 3 : i32
          %add3A_946 = vector.broadcast %add3A_945 : i32 to vector<16xi32>
          %add3A_947 = arith.addi %add3A_889, %add3A_946 : vector<16xi32>
          %gather3A_948 = arith.constant 0 : i32
          %gather3A_949 = arith.constant 0 : i32
          %gather3A_950 = tpu.memref_slice %run_scoped3A_8[%rem3A_420, %gather3A_948, %gather3A_949] : memref<2x128x33xf32, #tpu.memory_space<vmem>> -> memref<1x128x33xf32, #tpu.memory_space<vmem>>
          %gather3A_951 = tpu.memref_squeeze %gather3A_950 : memref<1x128x33xf32, #tpu.memory_space<vmem>> -> memref<128x33xf32, #tpu.memory_space<vmem>>
          %gather3A_952 = tpu.vector_load_idx %gather3A_951[%add3A_655, %add3A_947] : memref<128x33xf32, #tpu.memory_space<vmem>>[vector<16xi32>, vector<16xi32>], vector<16xf32>,
          %add3A_953 = arith.constant 3 : i32
          %add3A_954 = vector.broadcast %add3A_953 : i32 to vector<16xi32>
          %add3A_955 = arith.addi %add3A_896, %add3A_954 : vector<16xi32>
          %gather3A_956 = arith.constant 0 : i32
          %gather3A_957 = arith.constant 0 : i32
          %gather3A_958 = tpu.memref_slice %run_scoped3A_8[%rem3A_420, %gather3A_956, %gather3A_957] : memref<2x128x33xf32, #tpu.memory_space<vmem>> -> memref<1x128x33xf32, #tpu.memory_space<vmem>>
          %gather3A_959 = tpu.memref_squeeze %gather3A_958 : memref<1x128x33xf32, #tpu.memory_space<vmem>> -> memref<128x33xf32, #tpu.memory_space<vmem>>
          %gather3A_960 = tpu.vector_load_idx %gather3A_959[%add3A_658, %add3A_955] : memref<128x33xf32, #tpu.memory_space<vmem>>[vector<16xi32>, vector<16xi32>], vector<16xf32>,
          %gt3A_961 = arith.cmpf ogt, %get3A_585, %gather3A_904 : vector<16xf32>
          %jit3A_962 = arith.constant 4 : i32
          %jit3A_963 = arith.constant 0 : i32
          %broadcast_in_dim3A_964 = vector.broadcast %jit3A_962 : i32 to vector<16xi32>
          %broadcast_in_dim3A_965 = vector.broadcast %jit3A_963 : i32 to vector<16xi32>
          %select_n3A_966 = arith.select %gt3A_961, %broadcast_in_dim3A_964, %broadcast_in_dim3A_965 : vector<16xi1>, vector<16xi32>
          %add3A_967 = arith.addi %add3A_847, %select_n3A_966 : vector<16xi32>
          %gt3A_968 = arith.cmpf ogt, %get3A_592, %gather3A_912 : vector<16xf32>
          %jit3A_969 = arith.constant 4 : i32
          %jit3A_970 = arith.constant 0 : i32
          %broadcast_in_dim3A_971 = vector.broadcast %jit3A_969 : i32 to vector<16xi32>
          %broadcast_in_dim3A_972 = vector.broadcast %jit3A_970 : i32 to vector<16xi32>
          %select_n3A_973 = arith.select %gt3A_968, %broadcast_in_dim3A_971, %broadcast_in_dim3A_972 : vector<16xi1>, vector<16xi32>
          %add3A_974 = arith.addi %add3A_854, %select_n3A_973 : vector<16xi32>
          %gt3A_975 = arith.cmpf ogt, %get3A_599, %gather3A_920 : vector<16xf32>
          %jit3A_976 = arith.constant 4 : i32
          %jit3A_977 = arith.constant 0 : i32
          %broadcast_in_dim3A_978 = vector.broadcast %jit3A_976 : i32 to vector<16xi32>
          %broadcast_in_dim3A_979 = vector.broadcast %jit3A_977 : i32 to vector<16xi32>
          %select_n3A_980 = arith.select %gt3A_975, %broadcast_in_dim3A_978, %broadcast_in_dim3A_979 : vector<16xi1>, vector<16xi32>
          %add3A_981 = arith.addi %add3A_861, %select_n3A_980 : vector<16xi32>
          %gt3A_982 = arith.cmpf ogt, %get3A_606, %gather3A_928 : vector<16xf32>
          %jit3A_983 = arith.constant 4 : i32
          %jit3A_984 = arith.constant 0 : i32
          %broadcast_in_dim3A_985 = vector.broadcast %jit3A_983 : i32 to vector<16xi32>
          %broadcast_in_dim3A_986 = vector.broadcast %jit3A_984 : i32 to vector<16xi32>
          %select_n3A_987 = arith.select %gt3A_982, %broadcast_in_dim3A_985, %broadcast_in_dim3A_986 : vector<16xi1>, vector<16xi32>
          %add3A_988 = arith.addi %add3A_868, %select_n3A_987 : vector<16xi32>
          %gt3A_989 = arith.cmpf ogt, %get3A_613, %gather3A_936 : vector<16xf32>
          %jit3A_990 = arith.constant 4 : i32
          %jit3A_991 = arith.constant 0 : i32
          %broadcast_in_dim3A_992 = vector.broadcast %jit3A_990 : i32 to vector<16xi32>
          %broadcast_in_dim3A_993 = vector.broadcast %jit3A_991 : i32 to vector<16xi32>
          %select_n3A_994 = arith.select %gt3A_989, %broadcast_in_dim3A_992, %broadcast_in_dim3A_993 : vector<16xi1>, vector<16xi32>
          %add3A_995 = arith.addi %add3A_875, %select_n3A_994 : vector<16xi32>
          %gt3A_996 = arith.cmpf ogt, %get3A_620, %gather3A_944 : vector<16xf32>
          %jit3A_997 = arith.constant 4 : i32
          %jit3A_998 = arith.constant 0 : i32
          %broadcast_in_dim3A_999 = vector.broadcast %jit3A_997 : i32 to vector<16xi32>
          %broadcast_in_dim3A_1000 = vector.broadcast %jit3A_998 : i32 to vector<16xi32>
          %select_n3A_1001 = arith.select %gt3A_996, %broadcast_in_dim3A_999, %broadcast_in_dim3A_1000 : vector<16xi1>, vector<16xi32>
          %add3A_1002 = arith.addi %add3A_882, %select_n3A_1001 : vector<16xi32>
          %gt3A_1003 = arith.cmpf ogt, %get3A_627, %gather3A_952 : vector<16xf32>
          %jit3A_1004 = arith.constant 4 : i32
          %jit3A_1005 = arith.constant 0 : i32
          %broadcast_in_dim3A_1006 = vector.broadcast %jit3A_1004 : i32 to vector<16xi32>
          %broadcast_in_dim3A_1007 = vector.broadcast %jit3A_1005 : i32 to vector<16xi32>
          %select_n3A_1008 = arith.select %gt3A_1003, %broadcast_in_dim3A_1006, %broadcast_in_dim3A_1007 : vector<16xi1>, vector<16xi32>
          %add3A_1009 = arith.addi %add3A_889, %select_n3A_1008 : vector<16xi32>
          %gt3A_1010 = arith.cmpf ogt, %get3A_634, %gather3A_960 : vector<16xf32>
          %jit3A_1011 = arith.constant 4 : i32
          %jit3A_1012 = arith.constant 0 : i32
          %broadcast_in_dim3A_1013 = vector.broadcast %jit3A_1011 : i32 to vector<16xi32>
          %broadcast_in_dim3A_1014 = vector.broadcast %jit3A_1012 : i32 to vector<16xi32>
          %select_n3A_1015 = arith.select %gt3A_1010, %broadcast_in_dim3A_1013, %broadcast_in_dim3A_1014 : vector<16xi1>, vector<16xi32>
          %add3A_1016 = arith.addi %add3A_896, %select_n3A_1015 : vector<16xi32>
          %add3A_1017 = arith.constant 1 : i32
          %add3A_1018 = vector.broadcast %add3A_1017 : i32 to vector<16xi32>
          %add3A_1019 = arith.addi %add3A_967, %add3A_1018 : vector<16xi32>
          %gather3A_1020 = arith.constant 0 : i32
          %gather3A_1021 = arith.constant 0 : i32
          %gather3A_1022 = tpu.memref_slice %run_scoped3A_8[%rem3A_420, %gather3A_1020, %gather3A_1021] : memref<2x128x33xf32, #tpu.memory_space<vmem>> -> memref<1x128x33xf32, #tpu.memory_space<vmem>>
          %gather3A_1023 = tpu.memref_squeeze %gather3A_1022 : memref<1x128x33xf32, #tpu.memory_space<vmem>> -> memref<128x33xf32, #tpu.memory_space<vmem>>
          %gather3A_1024 = tpu.vector_load_idx %gather3A_1023[%add3A_637, %add3A_1019] : memref<128x33xf32, #tpu.memory_space<vmem>>[vector<16xi32>, vector<16xi32>], vector<16xf32>,
          %add3A_1025 = arith.constant 1 : i32
          %add3A_1026 = vector.broadcast %add3A_1025 : i32 to vector<16xi32>
          %add3A_1027 = arith.addi %add3A_974, %add3A_1026 : vector<16xi32>
          %gather3A_1028 = arith.constant 0 : i32
          %gather3A_1029 = arith.constant 0 : i32
          %gather3A_1030 = tpu.memref_slice %run_scoped3A_8[%rem3A_420, %gather3A_1028, %gather3A_1029] : memref<2x128x33xf32, #tpu.memory_space<vmem>> -> memref<1x128x33xf32, #tpu.memory_space<vmem>>
          %gather3A_1031 = tpu.memref_squeeze %gather3A_1030 : memref<1x128x33xf32, #tpu.memory_space<vmem>> -> memref<128x33xf32, #tpu.memory_space<vmem>>
          %gather3A_1032 = tpu.vector_load_idx %gather3A_1031[%add3A_640, %add3A_1027] : memref<128x33xf32, #tpu.memory_space<vmem>>[vector<16xi32>, vector<16xi32>], vector<16xf32>,
          %add3A_1033 = arith.constant 1 : i32
          %add3A_1034 = vector.broadcast %add3A_1033 : i32 to vector<16xi32>
          %add3A_1035 = arith.addi %add3A_981, %add3A_1034 : vector<16xi32>
          %gather3A_1036 = arith.constant 0 : i32
          %gather3A_1037 = arith.constant 0 : i32
          %gather3A_1038 = tpu.memref_slice %run_scoped3A_8[%rem3A_420, %gather3A_1036, %gather3A_1037] : memref<2x128x33xf32, #tpu.memory_space<vmem>> -> memref<1x128x33xf32, #tpu.memory_space<vmem>>
          %gather3A_1039 = tpu.memref_squeeze %gather3A_1038 : memref<1x128x33xf32, #tpu.memory_space<vmem>> -> memref<128x33xf32, #tpu.memory_space<vmem>>
          %gather3A_1040 = tpu.vector_load_idx %gather3A_1039[%add3A_643, %add3A_1035] : memref<128x33xf32, #tpu.memory_space<vmem>>[vector<16xi32>, vector<16xi32>], vector<16xf32>,
          %add3A_1041 = arith.constant 1 : i32
          %add3A_1042 = vector.broadcast %add3A_1041 : i32 to vector<16xi32>
          %add3A_1043 = arith.addi %add3A_988, %add3A_1042 : vector<16xi32>
          %gather3A_1044 = arith.constant 0 : i32
          %gather3A_1045 = arith.constant 0 : i32
          %gather3A_1046 = tpu.memref_slice %run_scoped3A_8[%rem3A_420, %gather3A_1044, %gather3A_1045] : memref<2x128x33xf32, #tpu.memory_space<vmem>> -> memref<1x128x33xf32, #tpu.memory_space<vmem>>
          %gather3A_1047 = tpu.memref_squeeze %gather3A_1046 : memref<1x128x33xf32, #tpu.memory_space<vmem>> -> memref<128x33xf32, #tpu.memory_space<vmem>>
          %gather3A_1048 = tpu.vector_load_idx %gather3A_1047[%add3A_646, %add3A_1043] : memref<128x33xf32, #tpu.memory_space<vmem>>[vector<16xi32>, vector<16xi32>], vector<16xf32>,
          %add3A_1049 = arith.constant 1 : i32
          %add3A_1050 = vector.broadcast %add3A_1049 : i32 to vector<16xi32>
          %add3A_1051 = arith.addi %add3A_995, %add3A_1050 : vector<16xi32>
          %gather3A_1052 = arith.constant 0 : i32
          %gather3A_1053 = arith.constant 0 : i32
          %gather3A_1054 = tpu.memref_slice %run_scoped3A_8[%rem3A_420, %gather3A_1052, %gather3A_1053] : memref<2x128x33xf32, #tpu.memory_space<vmem>> -> memref<1x128x33xf32, #tpu.memory_space<vmem>>
          %gather3A_1055 = tpu.memref_squeeze %gather3A_1054 : memref<1x128x33xf32, #tpu.memory_space<vmem>> -> memref<128x33xf32, #tpu.memory_space<vmem>>
          %gather3A_1056 = tpu.vector_load_idx %gather3A_1055[%add3A_649, %add3A_1051] : memref<128x33xf32, #tpu.memory_space<vmem>>[vector<16xi32>, vector<16xi32>], vector<16xf32>,
          %add3A_1057 = arith.constant 1 : i32
          %add3A_1058 = vector.broadcast %add3A_1057 : i32 to vector<16xi32>
          %add3A_1059 = arith.addi %add3A_1002, %add3A_1058 : vector<16xi32>
          %gather3A_1060 = arith.constant 0 : i32
          %gather3A_1061 = arith.constant 0 : i32
          %gather3A_1062 = tpu.memref_slice %run_scoped3A_8[%rem3A_420, %gather3A_1060, %gather3A_1061] : memref<2x128x33xf32, #tpu.memory_space<vmem>> -> memref<1x128x33xf32, #tpu.memory_space<vmem>>
          %gather3A_1063 = tpu.memref_squeeze %gather3A_1062 : memref<1x128x33xf32, #tpu.memory_space<vmem>> -> memref<128x33xf32, #tpu.memory_space<vmem>>
          %gather3A_1064 = tpu.vector_load_idx %gather3A_1063[%add3A_652, %add3A_1059] : memref<128x33xf32, #tpu.memory_space<vmem>>[vector<16xi32>, vector<16xi32>], vector<16xf32>,
          %add3A_1065 = arith.constant 1 : i32
          %add3A_1066 = vector.broadcast %add3A_1065 : i32 to vector<16xi32>
          %add3A_1067 = arith.addi %add3A_1009, %add3A_1066 : vector<16xi32>
          %gather3A_1068 = arith.constant 0 : i32
          %gather3A_1069 = arith.constant 0 : i32
          %gather3A_1070 = tpu.memref_slice %run_scoped3A_8[%rem3A_420, %gather3A_1068, %gather3A_1069] : memref<2x128x33xf32, #tpu.memory_space<vmem>> -> memref<1x128x33xf32, #tpu.memory_space<vmem>>
          %gather3A_1071 = tpu.memref_squeeze %gather3A_1070 : memref<1x128x33xf32, #tpu.memory_space<vmem>> -> memref<128x33xf32, #tpu.memory_space<vmem>>
          %gather3A_1072 = tpu.vector_load_idx %gather3A_1071[%add3A_655, %add3A_1067] : memref<128x33xf32, #tpu.memory_space<vmem>>[vector<16xi32>, vector<16xi32>], vector<16xf32>,
          %add3A_1073 = arith.constant 1 : i32
          %add3A_1074 = vector.broadcast %add3A_1073 : i32 to vector<16xi32>
          %add3A_1075 = arith.addi %add3A_1016, %add3A_1074 : vector<16xi32>
          %gather3A_1076 = arith.constant 0 : i32
          %gather3A_1077 = arith.constant 0 : i32
          %gather3A_1078 = tpu.memref_slice %run_scoped3A_8[%rem3A_420, %gather3A_1076, %gather3A_1077] : memref<2x128x33xf32, #tpu.memory_space<vmem>> -> memref<1x128x33xf32, #tpu.memory_space<vmem>>
          %gather3A_1079 = tpu.memref_squeeze %gather3A_1078 : memref<1x128x33xf32, #tpu.memory_space<vmem>> -> memref<128x33xf32, #tpu.memory_space<vmem>>
          %gather3A_1080 = tpu.vector_load_idx %gather3A_1079[%add3A_658, %add3A_1075] : memref<128x33xf32, #tpu.memory_space<vmem>>[vector<16xi32>, vector<16xi32>], vector<16xf32>,
          %gt3A_1081 = arith.cmpf ogt, %get3A_585, %gather3A_1024 : vector<16xf32>
          %jit3A_1082 = arith.constant 2 : i32
          %jit3A_1083 = arith.constant 0 : i32
          %broadcast_in_dim3A_1084 = vector.broadcast %jit3A_1082 : i32 to vector<16xi32>
          %broadcast_in_dim3A_1085 = vector.broadcast %jit3A_1083 : i32 to vector<16xi32>
          %select_n3A_1086 = arith.select %gt3A_1081, %broadcast_in_dim3A_1084, %broadcast_in_dim3A_1085 : vector<16xi1>, vector<16xi32>
          %add3A_1087 = arith.addi %add3A_967, %select_n3A_1086 : vector<16xi32>
          %gt3A_1088 = arith.cmpf ogt, %get3A_592, %gather3A_1032 : vector<16xf32>
          %jit3A_1089 = arith.constant 2 : i32
          %jit3A_1090 = arith.constant 0 : i32
          %broadcast_in_dim3A_1091 = vector.broadcast %jit3A_1089 : i32 to vector<16xi32>
          %broadcast_in_dim3A_1092 = vector.broadcast %jit3A_1090 : i32 to vector<16xi32>
          %select_n3A_1093 = arith.select %gt3A_1088, %broadcast_in_dim3A_1091, %broadcast_in_dim3A_1092 : vector<16xi1>, vector<16xi32>
          %add3A_1094 = arith.addi %add3A_974, %select_n3A_1093 : vector<16xi32>
          %gt3A_1095 = arith.cmpf ogt, %get3A_599, %gather3A_1040 : vector<16xf32>
          %jit3A_1096 = arith.constant 2 : i32
          %jit3A_1097 = arith.constant 0 : i32
          %broadcast_in_dim3A_1098 = vector.broadcast %jit3A_1096 : i32 to vector<16xi32>
          %broadcast_in_dim3A_1099 = vector.broadcast %jit3A_1097 : i32 to vector<16xi32>
          %select_n3A_1100 = arith.select %gt3A_1095, %broadcast_in_dim3A_1098, %broadcast_in_dim3A_1099 : vector<16xi1>, vector<16xi32>
          %add3A_1101 = arith.addi %add3A_981, %select_n3A_1100 : vector<16xi32>
          %gt3A_1102 = arith.cmpf ogt, %get3A_606, %gather3A_1048 : vector<16xf32>
          %jit3A_1103 = arith.constant 2 : i32
          %jit3A_1104 = arith.constant 0 : i32
          %broadcast_in_dim3A_1105 = vector.broadcast %jit3A_1103 : i32 to vector<16xi32>
          %broadcast_in_dim3A_1106 = vector.broadcast %jit3A_1104 : i32 to vector<16xi32>
          %select_n3A_1107 = arith.select %gt3A_1102, %broadcast_in_dim3A_1105, %broadcast_in_dim3A_1106 : vector<16xi1>, vector<16xi32>
          %add3A_1108 = arith.addi %add3A_988, %select_n3A_1107 : vector<16xi32>
          %gt3A_1109 = arith.cmpf ogt, %get3A_613, %gather3A_1056 : vector<16xf32>
          %jit3A_1110 = arith.constant 2 : i32
          %jit3A_1111 = arith.constant 0 : i32
          %broadcast_in_dim3A_1112 = vector.broadcast %jit3A_1110 : i32 to vector<16xi32>
          %broadcast_in_dim3A_1113 = vector.broadcast %jit3A_1111 : i32 to vector<16xi32>
          %select_n3A_1114 = arith.select %gt3A_1109, %broadcast_in_dim3A_1112, %broadcast_in_dim3A_1113 : vector<16xi1>, vector<16xi32>
          %add3A_1115 = arith.addi %add3A_995, %select_n3A_1114 : vector<16xi32>
          %gt3A_1116 = arith.cmpf ogt, %get3A_620, %gather3A_1064 : vector<16xf32>
          %jit3A_1117 = arith.constant 2 : i32
          %jit3A_1118 = arith.constant 0 : i32
          %broadcast_in_dim3A_1119 = vector.broadcast %jit3A_1117 : i32 to vector<16xi32>
          %broadcast_in_dim3A_1120 = vector.broadcast %jit3A_1118 : i32 to vector<16xi32>
          %select_n3A_1121 = arith.select %gt3A_1116, %broadcast_in_dim3A_1119, %broadcast_in_dim3A_1120 : vector<16xi1>, vector<16xi32>
          %add3A_1122 = arith.addi %add3A_1002, %select_n3A_1121 : vector<16xi32>
          %gt3A_1123 = arith.cmpf ogt, %get3A_627, %gather3A_1072 : vector<16xf32>
          %jit3A_1124 = arith.constant 2 : i32
          %jit3A_1125 = arith.constant 0 : i32
          %broadcast_in_dim3A_1126 = vector.broadcast %jit3A_1124 : i32 to vector<16xi32>
          %broadcast_in_dim3A_1127 = vector.broadcast %jit3A_1125 : i32 to vector<16xi32>
          %select_n3A_1128 = arith.select %gt3A_1123, %broadcast_in_dim3A_1126, %broadcast_in_dim3A_1127 : vector<16xi1>, vector<16xi32>
          %add3A_1129 = arith.addi %add3A_1009, %select_n3A_1128 : vector<16xi32>
          %gt3A_1130 = arith.cmpf ogt, %get3A_634, %gather3A_1080 : vector<16xf32>
          %jit3A_1131 = arith.constant 2 : i32
          %jit3A_1132 = arith.constant 0 : i32
          %broadcast_in_dim3A_1133 = vector.broadcast %jit3A_1131 : i32 to vector<16xi32>
          %broadcast_in_dim3A_1134 = vector.broadcast %jit3A_1132 : i32 to vector<16xi32>
          %select_n3A_1135 = arith.select %gt3A_1130, %broadcast_in_dim3A_1133, %broadcast_in_dim3A_1134 : vector<16xi1>, vector<16xi32>
          %add3A_1136 = arith.addi %add3A_1016, %select_n3A_1135 : vector<16xi32>
          %add3A_1137 = arith.constant 0 : i32
          %add3A_1138 = vector.broadcast %add3A_1137 : i32 to vector<16xi32>
          %add3A_1139 = arith.addi %add3A_1087, %add3A_1138 : vector<16xi32>
          %gather3A_1140 = arith.constant 0 : i32
          %gather3A_1141 = arith.constant 0 : i32
          %gather3A_1142 = tpu.memref_slice %run_scoped3A_8[%rem3A_420, %gather3A_1140, %gather3A_1141] : memref<2x128x33xf32, #tpu.memory_space<vmem>> -> memref<1x128x33xf32, #tpu.memory_space<vmem>>
          %gather3A_1143 = tpu.memref_squeeze %gather3A_1142 : memref<1x128x33xf32, #tpu.memory_space<vmem>> -> memref<128x33xf32, #tpu.memory_space<vmem>>
          %gather3A_1144 = tpu.vector_load_idx %gather3A_1143[%add3A_637, %add3A_1139] : memref<128x33xf32, #tpu.memory_space<vmem>>[vector<16xi32>, vector<16xi32>], vector<16xf32>,
          %add3A_1145 = arith.constant 0 : i32
          %add3A_1146 = vector.broadcast %add3A_1145 : i32 to vector<16xi32>
          %add3A_1147 = arith.addi %add3A_1094, %add3A_1146 : vector<16xi32>
          %gather3A_1148 = arith.constant 0 : i32
          %gather3A_1149 = arith.constant 0 : i32
          %gather3A_1150 = tpu.memref_slice %run_scoped3A_8[%rem3A_420, %gather3A_1148, %gather3A_1149] : memref<2x128x33xf32, #tpu.memory_space<vmem>> -> memref<1x128x33xf32, #tpu.memory_space<vmem>>
          %gather3A_1151 = tpu.memref_squeeze %gather3A_1150 : memref<1x128x33xf32, #tpu.memory_space<vmem>> -> memref<128x33xf32, #tpu.memory_space<vmem>>
          %gather3A_1152 = tpu.vector_load_idx %gather3A_1151[%add3A_640, %add3A_1147] : memref<128x33xf32, #tpu.memory_space<vmem>>[vector<16xi32>, vector<16xi32>], vector<16xf32>,
          %add3A_1153 = arith.constant 0 : i32
          %add3A_1154 = vector.broadcast %add3A_1153 : i32 to vector<16xi32>
          %add3A_1155 = arith.addi %add3A_1101, %add3A_1154 : vector<16xi32>
          %gather3A_1156 = arith.constant 0 : i32
          %gather3A_1157 = arith.constant 0 : i32
          %gather3A_1158 = tpu.memref_slice %run_scoped3A_8[%rem3A_420, %gather3A_1156, %gather3A_1157] : memref<2x128x33xf32, #tpu.memory_space<vmem>> -> memref<1x128x33xf32, #tpu.memory_space<vmem>>
          %gather3A_1159 = tpu.memref_squeeze %gather3A_1158 : memref<1x128x33xf32, #tpu.memory_space<vmem>> -> memref<128x33xf32, #tpu.memory_space<vmem>>
          %gather3A_1160 = tpu.vector_load_idx %gather3A_1159[%add3A_643, %add3A_1155] : memref<128x33xf32, #tpu.memory_space<vmem>>[vector<16xi32>, vector<16xi32>], vector<16xf32>,
          %add3A_1161 = arith.constant 0 : i32
          %add3A_1162 = vector.broadcast %add3A_1161 : i32 to vector<16xi32>
          %add3A_1163 = arith.addi %add3A_1108, %add3A_1162 : vector<16xi32>
          %gather3A_1164 = arith.constant 0 : i32
          %gather3A_1165 = arith.constant 0 : i32
          %gather3A_1166 = tpu.memref_slice %run_scoped3A_8[%rem3A_420, %gather3A_1164, %gather3A_1165] : memref<2x128x33xf32, #tpu.memory_space<vmem>> -> memref<1x128x33xf32, #tpu.memory_space<vmem>>
          %gather3A_1167 = tpu.memref_squeeze %gather3A_1166 : memref<1x128x33xf32, #tpu.memory_space<vmem>> -> memref<128x33xf32, #tpu.memory_space<vmem>>
          %gather3A_1168 = tpu.vector_load_idx %gather3A_1167[%add3A_646, %add3A_1163] : memref<128x33xf32, #tpu.memory_space<vmem>>[vector<16xi32>, vector<16xi32>], vector<16xf32>,
          %add3A_1169 = arith.constant 0 : i32
          %add3A_1170 = vector.broadcast %add3A_1169 : i32 to vector<16xi32>
          %add3A_1171 = arith.addi %add3A_1115, %add3A_1170 : vector<16xi32>
          %gather3A_1172 = arith.constant 0 : i32
          %gather3A_1173 = arith.constant 0 : i32
          %gather3A_1174 = tpu.memref_slice %run_scoped3A_8[%rem3A_420, %gather3A_1172, %gather3A_1173] : memref<2x128x33xf32, #tpu.memory_space<vmem>> -> memref<1x128x33xf32, #tpu.memory_space<vmem>>
          %gather3A_1175 = tpu.memref_squeeze %gather3A_1174 : memref<1x128x33xf32, #tpu.memory_space<vmem>> -> memref<128x33xf32, #tpu.memory_space<vmem>>
          %gather3A_1176 = tpu.vector_load_idx %gather3A_1175[%add3A_649, %add3A_1171] : memref<128x33xf32, #tpu.memory_space<vmem>>[vector<16xi32>, vector<16xi32>], vector<16xf32>,
          %add3A_1177 = arith.constant 0 : i32
          %add3A_1178 = vector.broadcast %add3A_1177 : i32 to vector<16xi32>
          %add3A_1179 = arith.addi %add3A_1122, %add3A_1178 : vector<16xi32>
          %gather3A_1180 = arith.constant 0 : i32
          %gather3A_1181 = arith.constant 0 : i32
          %gather3A_1182 = tpu.memref_slice %run_scoped3A_8[%rem3A_420, %gather3A_1180, %gather3A_1181] : memref<2x128x33xf32, #tpu.memory_space<vmem>> -> memref<1x128x33xf32, #tpu.memory_space<vmem>>
          %gather3A_1183 = tpu.memref_squeeze %gather3A_1182 : memref<1x128x33xf32, #tpu.memory_space<vmem>> -> memref<128x33xf32, #tpu.memory_space<vmem>>
          %gather3A_1184 = tpu.vector_load_idx %gather3A_1183[%add3A_652, %add3A_1179] : memref<128x33xf32, #tpu.memory_space<vmem>>[vector<16xi32>, vector<16xi32>], vector<16xf32>,
          %add3A_1185 = arith.constant 0 : i32
          %add3A_1186 = vector.broadcast %add3A_1185 : i32 to vector<16xi32>
          %add3A_1187 = arith.addi %add3A_1129, %add3A_1186 : vector<16xi32>
          %gather3A_1188 = arith.constant 0 : i32
          %gather3A_1189 = arith.constant 0 : i32
          %gather3A_1190 = tpu.memref_slice %run_scoped3A_8[%rem3A_420, %gather3A_1188, %gather3A_1189] : memref<2x128x33xf32, #tpu.memory_space<vmem>> -> memref<1x128x33xf32, #tpu.memory_space<vmem>>
          %gather3A_1191 = tpu.memref_squeeze %gather3A_1190 : memref<1x128x33xf32, #tpu.memory_space<vmem>> -> memref<128x33xf32, #tpu.memory_space<vmem>>
          %gather3A_1192 = tpu.vector_load_idx %gather3A_1191[%add3A_655, %add3A_1187] : memref<128x33xf32, #tpu.memory_space<vmem>>[vector<16xi32>, vector<16xi32>], vector<16xf32>,
          %add3A_1193 = arith.constant 0 : i32
          %add3A_1194 = vector.broadcast %add3A_1193 : i32 to vector<16xi32>
          %add3A_1195 = arith.addi %add3A_1136, %add3A_1194 : vector<16xi32>
          %gather3A_1196 = arith.constant 0 : i32
          %gather3A_1197 = arith.constant 0 : i32
          %gather3A_1198 = tpu.memref_slice %run_scoped3A_8[%rem3A_420, %gather3A_1196, %gather3A_1197] : memref<2x128x33xf32, #tpu.memory_space<vmem>> -> memref<1x128x33xf32, #tpu.memory_space<vmem>>
          %gather3A_1199 = tpu.memref_squeeze %gather3A_1198 : memref<1x128x33xf32, #tpu.memory_space<vmem>> -> memref<128x33xf32, #tpu.memory_space<vmem>>
          %gather3A_1200 = tpu.vector_load_idx %gather3A_1199[%add3A_658, %add3A_1195] : memref<128x33xf32, #tpu.memory_space<vmem>>[vector<16xi32>, vector<16xi32>], vector<16xf32>,
          %gt3A_1201 = arith.cmpf ogt, %get3A_585, %gather3A_1144 : vector<16xf32>
          %jit3A_1202 = arith.constant 1 : i32
          %jit3A_1203 = arith.constant 0 : i32
          %broadcast_in_dim3A_1204 = vector.broadcast %jit3A_1202 : i32 to vector<16xi32>
          %broadcast_in_dim3A_1205 = vector.broadcast %jit3A_1203 : i32 to vector<16xi32>
          %select_n3A_1206 = arith.select %gt3A_1201, %broadcast_in_dim3A_1204, %broadcast_in_dim3A_1205 : vector<16xi1>, vector<16xi32>
          %add3A_1207 = arith.addi %add3A_1087, %select_n3A_1206 : vector<16xi32>
          %gt3A_1208 = arith.cmpf ogt, %get3A_592, %gather3A_1152 : vector<16xf32>
          %jit3A_1209 = arith.constant 1 : i32
          %jit3A_1210 = arith.constant 0 : i32
          %broadcast_in_dim3A_1211 = vector.broadcast %jit3A_1209 : i32 to vector<16xi32>
          %broadcast_in_dim3A_1212 = vector.broadcast %jit3A_1210 : i32 to vector<16xi32>
          %select_n3A_1213 = arith.select %gt3A_1208, %broadcast_in_dim3A_1211, %broadcast_in_dim3A_1212 : vector<16xi1>, vector<16xi32>
          %add3A_1214 = arith.addi %add3A_1094, %select_n3A_1213 : vector<16xi32>
          %gt3A_1215 = arith.cmpf ogt, %get3A_599, %gather3A_1160 : vector<16xf32>
          %jit3A_1216 = arith.constant 1 : i32
          %jit3A_1217 = arith.constant 0 : i32
          %broadcast_in_dim3A_1218 = vector.broadcast %jit3A_1216 : i32 to vector<16xi32>
          %broadcast_in_dim3A_1219 = vector.broadcast %jit3A_1217 : i32 to vector<16xi32>
          %select_n3A_1220 = arith.select %gt3A_1215, %broadcast_in_dim3A_1218, %broadcast_in_dim3A_1219 : vector<16xi1>, vector<16xi32>
          %add3A_1221 = arith.addi %add3A_1101, %select_n3A_1220 : vector<16xi32>
          %gt3A_1222 = arith.cmpf ogt, %get3A_606, %gather3A_1168 : vector<16xf32>
          %jit3A_1223 = arith.constant 1 : i32
          %jit3A_1224 = arith.constant 0 : i32
          %broadcast_in_dim3A_1225 = vector.broadcast %jit3A_1223 : i32 to vector<16xi32>
          %broadcast_in_dim3A_1226 = vector.broadcast %jit3A_1224 : i32 to vector<16xi32>
          %select_n3A_1227 = arith.select %gt3A_1222, %broadcast_in_dim3A_1225, %broadcast_in_dim3A_1226 : vector<16xi1>, vector<16xi32>
          %add3A_1228 = arith.addi %add3A_1108, %select_n3A_1227 : vector<16xi32>
          %gt3A_1229 = arith.cmpf ogt, %get3A_613, %gather3A_1176 : vector<16xf32>
          %jit3A_1230 = arith.constant 1 : i32
          %jit3A_1231 = arith.constant 0 : i32
          %broadcast_in_dim3A_1232 = vector.broadcast %jit3A_1230 : i32 to vector<16xi32>
          %broadcast_in_dim3A_1233 = vector.broadcast %jit3A_1231 : i32 to vector<16xi32>
          %select_n3A_1234 = arith.select %gt3A_1229, %broadcast_in_dim3A_1232, %broadcast_in_dim3A_1233 : vector<16xi1>, vector<16xi32>
          %add3A_1235 = arith.addi %add3A_1115, %select_n3A_1234 : vector<16xi32>
          %gt3A_1236 = arith.cmpf ogt, %get3A_620, %gather3A_1184 : vector<16xf32>
          %jit3A_1237 = arith.constant 1 : i32
          %jit3A_1238 = arith.constant 0 : i32
          %broadcast_in_dim3A_1239 = vector.broadcast %jit3A_1237 : i32 to vector<16xi32>
          %broadcast_in_dim3A_1240 = vector.broadcast %jit3A_1238 : i32 to vector<16xi32>
          %select_n3A_1241 = arith.select %gt3A_1236, %broadcast_in_dim3A_1239, %broadcast_in_dim3A_1240 : vector<16xi1>, vector<16xi32>
          %add3A_1242 = arith.addi %add3A_1122, %select_n3A_1241 : vector<16xi32>
          %gt3A_1243 = arith.cmpf ogt, %get3A_627, %gather3A_1192 : vector<16xf32>
          %jit3A_1244 = arith.constant 1 : i32
          %jit3A_1245 = arith.constant 0 : i32
          %broadcast_in_dim3A_1246 = vector.broadcast %jit3A_1244 : i32 to vector<16xi32>
          %broadcast_in_dim3A_1247 = vector.broadcast %jit3A_1245 : i32 to vector<16xi32>
          %select_n3A_1248 = arith.select %gt3A_1243, %broadcast_in_dim3A_1246, %broadcast_in_dim3A_1247 : vector<16xi1>, vector<16xi32>
          %add3A_1249 = arith.addi %add3A_1129, %select_n3A_1248 : vector<16xi32>
          %gt3A_1250 = arith.cmpf ogt, %get3A_634, %gather3A_1200 : vector<16xf32>
          %jit3A_1251 = arith.constant 1 : i32
          %jit3A_1252 = arith.constant 0 : i32
          %broadcast_in_dim3A_1253 = vector.broadcast %jit3A_1251 : i32 to vector<16xi32>
          %broadcast_in_dim3A_1254 = vector.broadcast %jit3A_1252 : i32 to vector<16xi32>
          %select_n3A_1255 = arith.select %gt3A_1250, %broadcast_in_dim3A_1253, %broadcast_in_dim3A_1254 : vector<16xi1>, vector<16xi32>
          %add3A_1256 = arith.addi %add3A_1136, %select_n3A_1255 : vector<16xi32>
          %gather3A_1257 = arith.constant 0 : i32
          %gather3A_1258 = arith.constant 0 : i32
          %gather3A_1259 = tpu.memref_slice %run_scoped3A_10[%rem3A_422, %gather3A_1257, %gather3A_1258] : memref<2x128x33xf32, #tpu.memory_space<vmem>> -> memref<1x128x33xf32, #tpu.memory_space<vmem>>
          %gather3A_1260 = tpu.memref_squeeze %gather3A_1259 : memref<1x128x33xf32, #tpu.memory_space<vmem>> -> memref<128x33xf32, #tpu.memory_space<vmem>>
          %gather3A_1261 = tpu.vector_load_idx %gather3A_1260[%add3A_637, %add3A_1207] : memref<128x33xf32, #tpu.memory_space<vmem>>[vector<16xi32>, vector<16xi32>], vector<16xf32>,
          %swap3A = arith.constant 0 : i32
          %swap3A_1262 = arith.constant 0 : i32
          %swap3A_1263 = tpu.memref_slice %run_scoped3A_12[%rem3A_424, %swap3A, %swap3A_1262] : memref<2x64x128xf32, #tpu.memory_space<vmem>> -> memref<1x64x128xf32, #tpu.memory_space<vmem>>
          %swap3A_1264 = tpu.memref_squeeze %swap3A_1263 : memref<1x64x128xf32, #tpu.memory_space<vmem>> -> memref<64x128xf32, #tpu.memory_space<vmem>>
          %swap3A_1265 = arith.index_cast %add3A_579 : i32 to index
          %swap3A_1266 = arith.constant 0 : index
          %swap3A_1267 = tpu.vector_load %swap3A_1264[%swap3A_1265, %swap3A_1266] {strides = array<i32>} : memref<64x128xf32, #tpu.memory_space<vmem>>, vector<16xf32>,
          tpu.vector_store %swap3A_1264[%swap3A_1265, %swap3A_1266], %gather3A_1261 {strides = array<i32>} : memref<64x128xf32, #tpu.memory_space<vmem>>, vector<16xf32>,
          %gather3A_1268 = arith.constant 0 : i32
          %gather3A_1269 = arith.constant 0 : i32
          %gather3A_1270 = tpu.memref_slice %run_scoped3A_10[%rem3A_422, %gather3A_1268, %gather3A_1269] : memref<2x128x33xf32, #tpu.memory_space<vmem>> -> memref<1x128x33xf32, #tpu.memory_space<vmem>>
          %gather3A_1271 = tpu.memref_squeeze %gather3A_1270 : memref<1x128x33xf32, #tpu.memory_space<vmem>> -> memref<128x33xf32, #tpu.memory_space<vmem>>
          %gather3A_1272 = tpu.vector_load_idx %gather3A_1271[%add3A_640, %add3A_1214] : memref<128x33xf32, #tpu.memory_space<vmem>>[vector<16xi32>, vector<16xi32>], vector<16xf32>,
          %swap3A_1273 = arith.constant 0 : i32
          %swap3A_1274 = arith.constant 0 : i32
          %swap3A_1275 = tpu.memref_slice %run_scoped3A_12[%rem3A_424, %swap3A_1273, %swap3A_1274] : memref<2x64x128xf32, #tpu.memory_space<vmem>> -> memref<1x64x128xf32, #tpu.memory_space<vmem>>
          %swap3A_1276 = tpu.memref_squeeze %swap3A_1275 : memref<1x64x128xf32, #tpu.memory_space<vmem>> -> memref<64x128xf32, #tpu.memory_space<vmem>>
          %swap3A_1277 = arith.index_cast %add3A_579 : i32 to index
          %swap3A_1278 = arith.constant 16 : index
          %swap3A_1279 = tpu.vector_load %swap3A_1276[%swap3A_1277, %swap3A_1278] {strides = array<i32>} : memref<64x128xf32, #tpu.memory_space<vmem>>, vector<16xf32>,
          tpu.vector_store %swap3A_1276[%swap3A_1277, %swap3A_1278], %gather3A_1272 {strides = array<i32>} : memref<64x128xf32, #tpu.memory_space<vmem>>, vector<16xf32>,
          %gather3A_1280 = arith.constant 0 : i32
          %gather3A_1281 = arith.constant 0 : i32
          %gather3A_1282 = tpu.memref_slice %run_scoped3A_10[%rem3A_422, %gather3A_1280, %gather3A_1281] : memref<2x128x33xf32, #tpu.memory_space<vmem>> -> memref<1x128x33xf32, #tpu.memory_space<vmem>>
          %gather3A_1283 = tpu.memref_squeeze %gather3A_1282 : memref<1x128x33xf32, #tpu.memory_space<vmem>> -> memref<128x33xf32, #tpu.memory_space<vmem>>
          %gather3A_1284 = tpu.vector_load_idx %gather3A_1283[%add3A_643, %add3A_1221] : memref<128x33xf32, #tpu.memory_space<vmem>>[vector<16xi32>, vector<16xi32>], vector<16xf32>,
          %swap3A_1285 = arith.constant 0 : i32
          %swap3A_1286 = arith.constant 0 : i32
          %swap3A_1287 = tpu.memref_slice %run_scoped3A_12[%rem3A_424, %swap3A_1285, %swap3A_1286] : memref<2x64x128xf32, #tpu.memory_space<vmem>> -> memref<1x64x128xf32, #tpu.memory_space<vmem>>
          %swap3A_1288 = tpu.memref_squeeze %swap3A_1287 : memref<1x64x128xf32, #tpu.memory_space<vmem>> -> memref<64x128xf32, #tpu.memory_space<vmem>>
          %swap3A_1289 = arith.index_cast %add3A_579 : i32 to index
          %swap3A_1290 = arith.constant 32 : index
          %swap3A_1291 = tpu.vector_load %swap3A_1288[%swap3A_1289, %swap3A_1290] {strides = array<i32>} : memref<64x128xf32, #tpu.memory_space<vmem>>, vector<16xf32>,
          tpu.vector_store %swap3A_1288[%swap3A_1289, %swap3A_1290], %gather3A_1284 {strides = array<i32>} : memref<64x128xf32, #tpu.memory_space<vmem>>, vector<16xf32>,
          %gather3A_1292 = arith.constant 0 : i32
          %gather3A_1293 = arith.constant 0 : i32
          %gather3A_1294 = tpu.memref_slice %run_scoped3A_10[%rem3A_422, %gather3A_1292, %gather3A_1293] : memref<2x128x33xf32, #tpu.memory_space<vmem>> -> memref<1x128x33xf32, #tpu.memory_space<vmem>>
          %gather3A_1295 = tpu.memref_squeeze %gather3A_1294 : memref<1x128x33xf32, #tpu.memory_space<vmem>> -> memref<128x33xf32, #tpu.memory_space<vmem>>
          %gather3A_1296 = tpu.vector_load_idx %gather3A_1295[%add3A_646, %add3A_1228] : memref<128x33xf32, #tpu.memory_space<vmem>>[vector<16xi32>, vector<16xi32>], vector<16xf32>,
          %swap3A_1297 = arith.constant 0 : i32
          %swap3A_1298 = arith.constant 0 : i32
          %swap3A_1299 = tpu.memref_slice %run_scoped3A_12[%rem3A_424, %swap3A_1297, %swap3A_1298] : memref<2x64x128xf32, #tpu.memory_space<vmem>> -> memref<1x64x128xf32, #tpu.memory_space<vmem>>
          %swap3A_1300 = tpu.memref_squeeze %swap3A_1299 : memref<1x64x128xf32, #tpu.memory_space<vmem>> -> memref<64x128xf32, #tpu.memory_space<vmem>>
          %swap3A_1301 = arith.index_cast %add3A_579 : i32 to index
          %swap3A_1302 = arith.constant 48 : index
          %swap3A_1303 = tpu.vector_load %swap3A_1300[%swap3A_1301, %swap3A_1302] {strides = array<i32>} : memref<64x128xf32, #tpu.memory_space<vmem>>, vector<16xf32>,
          tpu.vector_store %swap3A_1300[%swap3A_1301, %swap3A_1302], %gather3A_1296 {strides = array<i32>} : memref<64x128xf32, #tpu.memory_space<vmem>>, vector<16xf32>,
          %gather3A_1304 = arith.constant 0 : i32
          %gather3A_1305 = arith.constant 0 : i32
          %gather3A_1306 = tpu.memref_slice %run_scoped3A_10[%rem3A_422, %gather3A_1304, %gather3A_1305] : memref<2x128x33xf32, #tpu.memory_space<vmem>> -> memref<1x128x33xf32, #tpu.memory_space<vmem>>
          %gather3A_1307 = tpu.memref_squeeze %gather3A_1306 : memref<1x128x33xf32, #tpu.memory_space<vmem>> -> memref<128x33xf32, #tpu.memory_space<vmem>>
          %gather3A_1308 = tpu.vector_load_idx %gather3A_1307[%add3A_649, %add3A_1235] : memref<128x33xf32, #tpu.memory_space<vmem>>[vector<16xi32>, vector<16xi32>], vector<16xf32>,
          %swap3A_1309 = arith.constant 0 : i32
          %swap3A_1310 = arith.constant 0 : i32
          %swap3A_1311 = tpu.memref_slice %run_scoped3A_12[%rem3A_424, %swap3A_1309, %swap3A_1310] : memref<2x64x128xf32, #tpu.memory_space<vmem>> -> memref<1x64x128xf32, #tpu.memory_space<vmem>>
          %swap3A_1312 = tpu.memref_squeeze %swap3A_1311 : memref<1x64x128xf32, #tpu.memory_space<vmem>> -> memref<64x128xf32, #tpu.memory_space<vmem>>
          %swap3A_1313 = arith.index_cast %add3A_579 : i32 to index
          %swap3A_1314 = arith.constant 64 : index
          %swap3A_1315 = tpu.vector_load %swap3A_1312[%swap3A_1313, %swap3A_1314] {strides = array<i32>} : memref<64x128xf32, #tpu.memory_space<vmem>>, vector<16xf32>,
          tpu.vector_store %swap3A_1312[%swap3A_1313, %swap3A_1314], %gather3A_1308 {strides = array<i32>} : memref<64x128xf32, #tpu.memory_space<vmem>>, vector<16xf32>,
          %gather3A_1316 = arith.constant 0 : i32
          %gather3A_1317 = arith.constant 0 : i32
          %gather3A_1318 = tpu.memref_slice %run_scoped3A_10[%rem3A_422, %gather3A_1316, %gather3A_1317] : memref<2x128x33xf32, #tpu.memory_space<vmem>> -> memref<1x128x33xf32, #tpu.memory_space<vmem>>
          %gather3A_1319 = tpu.memref_squeeze %gather3A_1318 : memref<1x128x33xf32, #tpu.memory_space<vmem>> -> memref<128x33xf32, #tpu.memory_space<vmem>>
          %gather3A_1320 = tpu.vector_load_idx %gather3A_1319[%add3A_652, %add3A_1242] : memref<128x33xf32, #tpu.memory_space<vmem>>[vector<16xi32>, vector<16xi32>], vector<16xf32>,
          %swap3A_1321 = arith.constant 0 : i32
          %swap3A_1322 = arith.constant 0 : i32
          %swap3A_1323 = tpu.memref_slice %run_scoped3A_12[%rem3A_424, %swap3A_1321, %swap3A_1322] : memref<2x64x128xf32, #tpu.memory_space<vmem>> -> memref<1x64x128xf32, #tpu.memory_space<vmem>>
          %swap3A_1324 = tpu.memref_squeeze %swap3A_1323 : memref<1x64x128xf32, #tpu.memory_space<vmem>> -> memref<64x128xf32, #tpu.memory_space<vmem>>
          %swap3A_1325 = arith.index_cast %add3A_579 : i32 to index
          %swap3A_1326 = arith.constant 80 : index
          %swap3A_1327 = tpu.vector_load %swap3A_1324[%swap3A_1325, %swap3A_1326] {strides = array<i32>} : memref<64x128xf32, #tpu.memory_space<vmem>>, vector<16xf32>,
          tpu.vector_store %swap3A_1324[%swap3A_1325, %swap3A_1326], %gather3A_1320 {strides = array<i32>} : memref<64x128xf32, #tpu.memory_space<vmem>>, vector<16xf32>,
          %gather3A_1328 = arith.constant 0 : i32
          %gather3A_1329 = arith.constant 0 : i32
          %gather3A_1330 = tpu.memref_slice %run_scoped3A_10[%rem3A_422, %gather3A_1328, %gather3A_1329] : memref<2x128x33xf32, #tpu.memory_space<vmem>> -> memref<1x128x33xf32, #tpu.memory_space<vmem>>
          %gather3A_1331 = tpu.memref_squeeze %gather3A_1330 : memref<1x128x33xf32, #tpu.memory_space<vmem>> -> memref<128x33xf32, #tpu.memory_space<vmem>>
          %gather3A_1332 = tpu.vector_load_idx %gather3A_1331[%add3A_655, %add3A_1249] : memref<128x33xf32, #tpu.memory_space<vmem>>[vector<16xi32>, vector<16xi32>], vector<16xf32>,
          %swap3A_1333 = arith.constant 0 : i32
          %swap3A_1334 = arith.constant 0 : i32
          %swap3A_1335 = tpu.memref_slice %run_scoped3A_12[%rem3A_424, %swap3A_1333, %swap3A_1334] : memref<2x64x128xf32, #tpu.memory_space<vmem>> -> memref<1x64x128xf32, #tpu.memory_space<vmem>>
          %swap3A_1336 = tpu.memref_squeeze %swap3A_1335 : memref<1x64x128xf32, #tpu.memory_space<vmem>> -> memref<64x128xf32, #tpu.memory_space<vmem>>
          %swap3A_1337 = arith.index_cast %add3A_579 : i32 to index
          %swap3A_1338 = arith.constant 96 : index
          %swap3A_1339 = tpu.vector_load %swap3A_1336[%swap3A_1337, %swap3A_1338] {strides = array<i32>} : memref<64x128xf32, #tpu.memory_space<vmem>>, vector<16xf32>,
          tpu.vector_store %swap3A_1336[%swap3A_1337, %swap3A_1338], %gather3A_1332 {strides = array<i32>} : memref<64x128xf32, #tpu.memory_space<vmem>>, vector<16xf32>,
          %gather3A_1340 = arith.constant 0 : i32
          %gather3A_1341 = arith.constant 0 : i32
          %gather3A_1342 = tpu.memref_slice %run_scoped3A_10[%rem3A_422, %gather3A_1340, %gather3A_1341] : memref<2x128x33xf32, #tpu.memory_space<vmem>> -> memref<1x128x33xf32, #tpu.memory_space<vmem>>
          %gather3A_1343 = tpu.memref_squeeze %gather3A_1342 : memref<1x128x33xf32, #tpu.memory_space<vmem>> -> memref<128x33xf32, #tpu.memory_space<vmem>>
          %gather3A_1344 = tpu.vector_load_idx %gather3A_1343[%add3A_658, %add3A_1256] : memref<128x33xf32, #tpu.memory_space<vmem>>[vector<16xi32>, vector<16xi32>], vector<16xf32>,
          %swap3A_1345 = arith.constant 0 : i32
          %swap3A_1346 = arith.constant 0 : i32
          %swap3A_1347 = tpu.memref_slice %run_scoped3A_12[%rem3A_424, %swap3A_1345, %swap3A_1346] : memref<2x64x128xf32, #tpu.memory_space<vmem>> -> memref<1x64x128xf32, #tpu.memory_space<vmem>>
          %swap3A_1348 = tpu.memref_squeeze %swap3A_1347 : memref<1x64x128xf32, #tpu.memory_space<vmem>> -> memref<64x128xf32, #tpu.memory_space<vmem>>
          %swap3A_1349 = arith.index_cast %add3A_579 : i32 to index
          %swap3A_1350 = arith.constant 112 : index
          %swap3A_1351 = tpu.vector_load %swap3A_1348[%swap3A_1349, %swap3A_1350] {strides = array<i32>} : memref<64x128xf32, #tpu.memory_space<vmem>>, vector<16xf32>,
          tpu.vector_store %swap3A_1348[%swap3A_1349, %swap3A_1350], %gather3A_1344 {strides = array<i32>} : memref<64x128xf32, #tpu.memory_space<vmem>>, vector<16xf32>,
        }
        %scan3A_429 = arith.constant 64 : i32
        "tpu.trace_stop"() : () -> ()
        %ne3A_430 = arith.cmpi ne, %add3A_264, %add3A_302 : i32
        %ne3A_431 = arith.cmpi ne, %add3A_266, %add3A_304 : i32
        %or3A_432 = arith.constant false
        %or3A_433 = arith.ori %or3A_432, %ne3A_430 : i1
        %or3A_434 = arith.ori %or3A_433, %ne3A_431 : i1
        %or3A_435 = arith.ori %or3A_434, %eq3A_262 : i1
        %convert_element_type3A_436 = arith.extui %or3A_435 : i1 to i32
        %cond3A_437 = arith.constant 0 : i32
        %cond3A_438 = arith.cmpi ne, %convert_element_type3A_436, %cond3A_437 : i32
        scf.if %cond3A_438 {
        } else {
        }
        %and3A_439 = arith.constant false
        %and3A_440 = arith.andi %or3A_435, %and3A_439 : i1
        %ne3A_441 = arith.cmpi ne, %add3A_266, %add3A_304 : i32
        %or3A_442 = arith.constant false
        %or3A_443 = arith.ori %or3A_442, %ne3A_441 : i1
        %or3A_444 = arith.constant false
        %or3A_445 = arith.ori %or3A_443, %or3A_444 : i1
        %or3A_446 = arith.ori %or3A_445, %eq3A_262 : i1
        %convert_element_type3A_447 = arith.extui %or3A_446 : i1 to i32
        %cond3A_448 = arith.constant 0 : i32
        %cond3A_449 = arith.cmpi ne, %convert_element_type3A_447, %cond3A_448 : i32
        scf.if %cond3A_449 {
        } else {
        }
        %and3A_450 = arith.constant false
        %and3A_451 = arith.andi %or3A_446, %and3A_450 : i1
        %ne3A_452 = arith.cmpi ne, %add3A_266, %add3A_304 : i32
        %or3A_453 = arith.constant false
        %or3A_454 = arith.ori %or3A_453, %ne3A_452 : i1
        %or3A_455 = arith.constant false
        %or3A_456 = arith.ori %or3A_454, %or3A_455 : i1
        %or3A_457 = arith.ori %or3A_456, %eq3A_262 : i1
        %convert_element_type3A_458 = arith.extui %or3A_457 : i1 to i32
        %cond3A_459 = arith.constant 0 : i32
        %cond3A_460 = arith.cmpi ne, %convert_element_type3A_458, %cond3A_459 : i32
        scf.if %cond3A_460 {
        } else {
        }
        %and3A_461 = arith.constant false
        %and3A_462 = arith.andi %or3A_457, %and3A_461 : i1
        %ne3A_463 = arith.cmpi ne, %add3A_264, %add3A_302 : i32
        %ne3A_464 = arith.cmpi ne, %add3A_266, %add3A_304 : i32
        %or3A_465 = arith.constant false
        %or3A_466 = arith.ori %or3A_465, %ne3A_463 : i1
        %or3A_467 = arith.ori %or3A_466, %ne3A_464 : i1
        %or3A_468 = arith.ori %or3A_467, %eq3A_262 : i1
        %convert_element_type3A_469 = arith.extui %or3A_468 : i1 to i32
        %cond3A_470 = arith.constant 0 : i32
        %cond3A_471 = arith.cmpi ne, %convert_element_type3A_469, %cond3A_470 : i32
        scf.if %cond3A_471 {
          "tpu.trace_start"() <{level = 10 : i32, message = "ep_copy_out"}> : () -> ()
          %rem3A_575 = arith.constant 2 : i32
          %rem3A_576 = arith.remui %scan3A_255, %rem3A_575 : i32
          %mul3A_577 = arith.constant 64 : i32
          %mul3A_578 = arith.muli %mul3A_577, %add3A_264 : i32
          %mul3A_579 = arith.constant 128 : i32
          %mul3A_580 = arith.muli %mul3A_579, %add3A_266 : i32
          %dma_start3A_581 = arith.constant 0 : i32
          %dma_start3A_582 = arith.constant 0 : i32
          %dma_start3A_583 = tpu.memref_slice %run_scoped3A_12[%rem3A_576, %dma_start3A_581, %dma_start3A_582] : memref<2x64x128xf32, #tpu.memory_space<vmem>> -> memref<1x64x128xf32, #tpu.memory_space<vmem>>
          %dma_start3A_584 = tpu.memref_squeeze %dma_start3A_583 : memref<1x64x128xf32, #tpu.memory_space<vmem>> -> memref<64x128xf32, #tpu.memory_space<vmem>>
          %dma_start3A_585 = tpu.memref_slice %arg5[%mul3A_578, %mul3A_580] : memref<2048x2048xf32, #tpu.memory_space<hbm>> -> memref<64x128xf32, #tpu.memory_space<hbm>>
          %dma_start3A_586 = tpu.memref_slice %run_scoped3A_13[%rem3A_576] : memref<2x!tpu.dma_semaphore, #tpu.memory_space<semaphore_mem>> -> memref<1x!tpu.dma_semaphore, #tpu.memory_space<semaphore_mem>>
          %dma_start3A_587 = tpu.memref_squeeze %dma_start3A_586 : memref<1x!tpu.dma_semaphore, #tpu.memory_space<semaphore_mem>> -> memref<!tpu.dma_semaphore, #tpu.memory_space<semaphore_mem>>
          %dma_start3A_588 = tpu.memref_slice %arg5[%mul3A_578, %mul3A_580] : memref<2048x2048xf32, #tpu.memory_space<hbm>> -> memref<64x128xf32, #tpu.memory_space<hbm>>
          %dma_start3A_589 = arith.constant 0 : i32
          %dma_start3A_590 = arith.constant 0 : i32
          %dma_start3A_591 = tpu.memref_slice %run_scoped3A_12[%rem3A_576, %dma_start3A_589, %dma_start3A_590] : memref<2x64x128xf32, #tpu.memory_space<vmem>> -> memref<1x64x128xf32, #tpu.memory_space<vmem>>
          %dma_start3A_592 = tpu.memref_squeeze %dma_start3A_591 : memref<1x64x128xf32, #tpu.memory_space<vmem>> -> memref<64x128xf32, #tpu.memory_space<vmem>>
          tpu.enqueue_dma source(%dma_start3A_592 : memref<64x128xf32, #tpu.memory_space<vmem>>) target(%dma_start3A_588 : memref<64x128xf32, #tpu.memory_space<hbm>>) target_semaphore(%dma_start3A_587 : memref<!tpu.dma_semaphore, #tpu.memory_space<semaphore_mem>>)
          "tpu.trace_stop"() : () -> ()
        } else {
        }
        %and3A_472 = arith.constant true
        %and3A_473 = arith.andi %or3A_468, %and3A_472 : i1
        %add3A_474 = arith.constant 1 : i32
        %add3A_475 = arith.addi %scan3A_255, %add3A_474 : i32
        %select_n3A_476 = arith.select %and3A_473, %add3A_475, %scan3A_255 : i32
        %ne3A_477 = arith.cmpi ne, %add3A_264, %add3A_283 : i32
        %ne3A_478 = arith.cmpi ne, %add3A_266, %add3A_285 : i32
        %or3A_479 = arith.constant false
        %or3A_480 = arith.ori %or3A_479, %ne3A_477 : i1
        %or3A_481 = arith.ori %or3A_480, %ne3A_478 : i1
        %not3A_482 = arith.constant true
        %not3A_483 = arith.xori %eq3A_260, %not3A_482 : i1
        %and3A_484 = arith.andi %or3A_481, %not3A_483 : i1
        %convert_element_type3A_485 = arith.extui %and3A_484 : i1 to i32
        %cond3A_486 = arith.constant 0 : i32
        %cond3A_487 = arith.cmpi ne, %convert_element_type3A_485, %cond3A_486 : i32
        scf.if %cond3A_487 {
        } else {
        }
        %and3A_488 = arith.constant false
        %and3A_489 = arith.andi %and3A_484, %and3A_488 : i1
        %ne3A_490 = arith.cmpi ne, %add3A_266, %add3A_285 : i32
        %or3A_491 = arith.constant false
        %or3A_492 = arith.ori %or3A_491, %ne3A_490 : i1
        %or3A_493 = arith.constant false
        %or3A_494 = arith.ori %or3A_492, %or3A_493 : i1
        %not3A_495 = arith.constant true
        %not3A_496 = arith.xori %eq3A_260, %not3A_495 : i1
        %and3A_497 = arith.andi %or3A_494, %not3A_496 : i1
        %convert_element_type3A_498 = arith.extui %and3A_497 : i1 to i32
        %cond3A_499 = arith.constant 0 : i32
        %cond3A_500 = arith.cmpi ne, %convert_element_type3A_498, %cond3A_499 : i32
        scf.if %cond3A_500 {
        } else {
        }
        %and3A_501 = arith.constant false
        %and3A_502 = arith.andi %and3A_497, %and3A_501 : i1
        %ne3A_503 = arith.cmpi ne, %add3A_266, %add3A_285 : i32
        %or3A_504 = arith.constant false
        %or3A_505 = arith.ori %or3A_504, %ne3A_503 : i1
        %or3A_506 = arith.constant false
        %or3A_507 = arith.ori %or3A_505, %or3A_506 : i1
        %not3A_508 = arith.constant true
        %not3A_509 = arith.xori %eq3A_260, %not3A_508 : i1
        %and3A_510 = arith.andi %or3A_507, %not3A_509 : i1
        %convert_element_type3A_511 = arith.extui %and3A_510 : i1 to i32
        %cond3A_512 = arith.constant 0 : i32
        %cond3A_513 = arith.cmpi ne, %convert_element_type3A_511, %cond3A_512 : i32
        scf.if %cond3A_513 {
        } else {
        }
        %and3A_514 = arith.constant false
        %and3A_515 = arith.andi %and3A_510, %and3A_514 : i1
        %ne3A_516 = arith.cmpi ne, %add3A_264, %add3A_283 : i32
        %ne3A_517 = arith.cmpi ne, %add3A_266, %add3A_285 : i32
        %or3A_518 = arith.constant false
        %or3A_519 = arith.ori %or3A_518, %ne3A_516 : i1
        %or3A_520 = arith.ori %or3A_519, %ne3A_517 : i1
        %not3A_521 = arith.constant true
        %not3A_522 = arith.xori %eq3A_260, %not3A_521 : i1
        %and3A_523 = arith.andi %or3A_520, %not3A_522 : i1
        %convert_element_type3A_524 = arith.extui %and3A_523 : i1 to i32
        %cond3A_525 = arith.constant 0 : i32
        %cond3A_526 = arith.cmpi ne, %convert_element_type3A_524, %cond3A_525 : i32
        scf.if %cond3A_526 {
          "tpu.trace_start"() <{level = 10 : i32, message = "ep_wait_out"}> : () -> ()
          %rem3A_575 = arith.constant 2 : i32
          %rem3A_576 = arith.remui %scan3A_256, %rem3A_575 : i32
          %mul3A_577 = arith.constant 64 : i32
          %mul3A_578 = arith.muli %mul3A_577, %add3A_283 : i32
          %mul3A_579 = arith.constant 128 : i32
          %mul3A_580 = arith.muli %mul3A_579, %add3A_285 : i32
          %dma_wait3A_581 = arith.constant 0 : i32
          %dma_wait3A_582 = arith.constant 0 : i32
          %dma_wait3A_583 = tpu.memref_slice %run_scoped3A_12[%rem3A_576, %dma_wait3A_581, %dma_wait3A_582] : memref<2x64x128xf32, #tpu.memory_space<vmem>> -> memref<1x64x128xf32, #tpu.memory_space<vmem>>
          %dma_wait3A_584 = tpu.memref_squeeze %dma_wait3A_583 : memref<1x64x128xf32, #tpu.memory_space<vmem>> -> memref<64x128xf32, #tpu.memory_space<vmem>>
          %dma_wait3A_585 = tpu.memref_slice %arg5[%mul3A_578, %mul3A_580] : memref<2048x2048xf32, #tpu.memory_space<hbm>> -> memref<64x128xf32, #tpu.memory_space<hbm>>
          %dma_wait3A_586 = tpu.memref_slice %run_scoped3A_13[%rem3A_576] : memref<2x!tpu.dma_semaphore, #tpu.memory_space<semaphore_mem>> -> memref<1x!tpu.dma_semaphore, #tpu.memory_space<semaphore_mem>>
          %dma_wait3A_587 = tpu.memref_squeeze %dma_wait3A_586 : memref<1x!tpu.dma_semaphore, #tpu.memory_space<semaphore_mem>> -> memref<!tpu.dma_semaphore, #tpu.memory_space<semaphore_mem>>
          %dma_wait3A_588 = tpu.memref_slice %arg5[%mul3A_578, %mul3A_580] : memref<2048x2048xf32, #tpu.memory_space<hbm>> -> memref<64x128xf32, #tpu.memory_space<hbm>>
          %dma_wait3A_589 = arith.constant 0 : i32
          %dma_wait3A_590 = arith.constant 0 : i32
          %dma_wait3A_591 = tpu.memref_slice %run_scoped3A_12[%rem3A_576, %dma_wait3A_589, %dma_wait3A_590] : memref<2x64x128xf32, #tpu.memory_space<vmem>> -> memref<1x64x128xf32, #tpu.memory_space<vmem>>
          %dma_wait3A_592 = tpu.memref_squeeze %dma_wait3A_591 : memref<1x64x128xf32, #tpu.memory_space<vmem>> -> memref<64x128xf32, #tpu.memory_space<vmem>>
          tpu.wait_dma2 semaphore(%dma_wait3A_587 : memref<!tpu.dma_semaphore, #tpu.memory_space<semaphore_mem>>) src(%dma_wait3A_592 : memref<64x128xf32, #tpu.memory_space<vmem>>) dst(%dma_wait3A_588 : memref<64x128xf32, #tpu.memory_space<hbm>>)
          "tpu.trace_stop"() : () -> ()
        } else {
        }
        %and3A_527 = arith.constant true
        %and3A_528 = arith.andi %and3A_523, %and3A_527 : i1
        %add3A_529 = arith.constant 1 : i32
        %add3A_530 = arith.addi %scan3A_256, %add3A_529 : i32
        %select_n3A_531 = arith.select %and3A_528, %add3A_530, %scan3A_256 : i32
        %ne3A_532 = arith.cmpi ne, %add3A_264, %add3A_302 : i32
        %ne3A_533 = arith.cmpi ne, %add3A_266, %add3A_304 : i32
        %or3A_534 = arith.constant false
        %or3A_535 = arith.ori %or3A_534, %ne3A_532 : i1
        %or3A_536 = arith.ori %or3A_535, %ne3A_533 : i1
        %or3A_537 = arith.ori %or3A_536, %eq3A_262 : i1
        %add3A_538 = arith.constant 1 : i32
        %add3A_539 = arith.addi %scan3A_250, %add3A_538 : i32
        %select_n3A_540 = arith.select %or3A_537, %add3A_539, %scan3A_250 : i32
        %ne3A_541 = arith.cmpi ne, %add3A_266, %add3A_304 : i32
        %or3A_542 = arith.constant false
        %or3A_543 = arith.ori %or3A_542, %ne3A_541 : i1
        %or3A_544 = arith.constant false
        %or3A_545 = arith.ori %or3A_543, %or3A_544 : i1
        %or3A_546 = arith.ori %or3A_545, %eq3A_262 : i1
        %add3A_547 = arith.constant 1 : i32
        %add3A_548 = arith.addi %scan3A_252, %add3A_547 : i32
        %select_n3A_549 = arith.select %or3A_546, %add3A_548, %scan3A_252 : i32
        %ne3A_550 = arith.cmpi ne, %add3A_266, %add3A_304 : i32
        %or3A_551 = arith.constant false
        %or3A_552 = arith.ori %or3A_551, %ne3A_550 : i1
        %or3A_553 = arith.constant false
        %or3A_554 = arith.ori %or3A_552, %or3A_553 : i1
        %or3A_555 = arith.ori %or3A_554, %eq3A_262 : i1
        %add3A_556 = arith.constant 1 : i32
        %add3A_557 = arith.addi %scan3A_254, %add3A_556 : i32
        %select_n3A_558 = arith.select %or3A_555, %add3A_557, %scan3A_254 : i32
        %add3A_559 = arith.constant 1 : i32
        %add3A_560 = arith.addi %scan3A_258, %add3A_559 : i32
        %select_n3A_561 = arith.constant true
        %select_n3A_562 = arith.select %select_n3A_561, %add3A_560, %scan3A_258 : i32
        %eq3A_563 = arith.constant 16 : i32
        %eq3A_564 = arith.cmpi eq, %select_n3A_562, %eq3A_563 : i32
        %select_n3A_565 = arith.constant 0 : i32
        %select_n3A_566 = arith.select %eq3A_564, %select_n3A_565, %select_n3A_562 : i32
        %select_n3A_567 = arith.constant 0 : i32
        %select_n3A_568 = arith.constant 1 : i32
        %select_n3A_569 = arith.select %eq3A_564, %select_n3A_568, %select_n3A_567 : i32
        %eq3A_570 = arith.constant 1 : i32
        %eq3A_571 = arith.cmpi eq, %select_n3A_569, %eq3A_570 : i32
        %select_n3A_572 = arith.constant 0 : i32
        %select_n3A_573 = arith.select %eq3A_571, %select_n3A_572, %select_n3A_569 : i32
        %scan3A_574 = arith.constant 0 : i32
        scf.yield %select_n3A_334, %select_n3A_540, %select_n3A_352, %select_n3A_549, %select_n3A_370, %select_n3A_558, %select_n3A_476, %select_n3A_531, %scan3A_574, %select_n3A_566 : i32, i32, i32, i32, i32, i32, i32, i32, i32, i32
      }
      %scan3A_155 = arith.constant 16 : i32
      %sub3A = arith.constant 1 : i32
      %sub3A_156 = arith.subi %scan3A_154#9, %sub3A : i32
      %select_n3A_157 = arith.constant true
      %select_n3A_158 = arith.select %select_n3A_157, %sub3A_156, %scan3A_154#9 : i32
      %eq3A_159 = arith.constant -1 : i32
      %eq3A_160 = arith.cmpi eq, %select_n3A_158, %eq3A_159 : i32
      %select_n3A_161 = arith.constant 15 : i32
      %select_n3A_162 = arith.select %eq3A_160, %select_n3A_161, %select_n3A_158 : i32
      %sub3A_163 = arith.constant 1 : i32
      %sub3A_164 = arith.subi %scan3A_154#8, %sub3A_163 : i32
      %select_n3A_165 = arith.select %eq3A_160, %sub3A_164, %scan3A_154#8 : i32
      %eq3A_166 = arith.constant -1 : i32
      %eq3A_167 = arith.cmpi eq, %select_n3A_165, %eq3A_166 : i32
      %select_n3A_168 = arith.constant 0 : i32
      %select_n3A_169 = arith.select %eq3A_167, %select_n3A_168, %select_n3A_165 : i32
      %add3A_170 = arith.constant 0 : i32
      %add3A_171 = arith.addi %add3A_170, %mul3A_6 : i32
      %add3A_172 = arith.constant 0 : i32
      %add3A_173 = arith.addi %select_n3A_162, %add3A_172 : i32
      %sub3A_174 = arith.constant 1 : i32
      %sub3A_175 = arith.subi %select_n3A_162, %sub3A_174 : i32
      %select_n3A_176 = arith.constant true
      %select_n3A_177 = arith.select %select_n3A_176, %sub3A_175, %select_n3A_162 : i32
      %eq3A_178 = arith.constant -1 : i32
      %eq3A_179 = arith.cmpi eq, %select_n3A_177, %eq3A_178 : i32
      %select_n3A_180 = arith.constant 15 : i32
      %select_n3A_181 = arith.select %eq3A_179, %select_n3A_180, %select_n3A_177 : i32
      %select_n3A_182 = arith.constant 0 : i32
      %select_n3A_183 = arith.constant -1 : i32
      %select_n3A_184 = arith.select %eq3A_179, %select_n3A_183, %select_n3A_182 : i32
      %eq3A_185 = arith.constant -1 : i32
      %eq3A_186 = arith.cmpi eq, %select_n3A_184, %eq3A_185 : i32
      %select_n3A_187 = arith.constant 0 : i32
      %select_n3A_188 = arith.select %eq3A_186, %select_n3A_187, %select_n3A_184 : i32
      %add3A_189 = arith.constant 0 : i32
      %add3A_190 = arith.addi %add3A_189, %mul3A_6 : i32
      %add3A_191 = arith.constant 0 : i32
      %add3A_192 = arith.addi %select_n3A_181, %add3A_191 : i32
      %add3A_193 = arith.constant 1 : i32
      %add3A_194 = arith.addi %select_n3A_162, %add3A_193 : i32
      %select_n3A_195 = arith.constant true
      %select_n3A_196 = arith.select %select_n3A_195, %add3A_194, %select_n3A_162 : i32
      %eq3A_197 = arith.constant 16 : i32
      %eq3A_198 = arith.cmpi eq, %select_n3A_196, %eq3A_197 : i32
      %select_n3A_199 = arith.constant 0 : i32
      %select_n3A_200 = arith.select %eq3A_198, %select_n3A_199, %select_n3A_196 : i32
      %select_n3A_201 = arith.constant 0 : i32
      %select_n3A_202 = arith.constant 1 : i32
      %select_n3A_203 = arith.select %eq3A_198, %select_n3A_202, %select_n3A_201 : i32
      %eq3A_204 = arith.constant 1 : i32
      %eq3A_205 = arith.cmpi eq, %select_n3A_203, %eq3A_204 : i32
      %select_n3A_206 = arith.constant 0 : i32
      %select_n3A_207 = arith.select %eq3A_205, %select_n3A_206, %select_n3A_203 : i32
      %add3A_208 = arith.constant 0 : i32
      %add3A_209 = arith.addi %add3A_208, %mul3A_6 : i32
      %add3A_210 = arith.constant 0 : i32
      %add3A_211 = arith.addi %select_n3A_200, %add3A_210 : i32
      %add3A_212 = arith.constant 1 : i32
      %add3A_213 = arith.addi %select_n3A_200, %add3A_212 : i32
      %select_n3A_214 = arith.constant true
      %select_n3A_215 = arith.select %select_n3A_214, %add3A_213, %select_n3A_200 : i32
      %eq3A_216 = arith.constant 16 : i32
      %eq3A_217 = arith.cmpi eq, %select_n3A_215, %eq3A_216 : i32
      %select_n3A_218 = arith.constant 0 : i32
      %select_n3A_219 = arith.select %eq3A_217, %select_n3A_218, %select_n3A_215 : i32
      %select_n3A_220 = arith.constant 0 : i32
      %select_n3A_221 = arith.constant 1 : i32
      %select_n3A_222 = arith.select %eq3A_217, %select_n3A_221, %select_n3A_220 : i32
      %eq3A_223 = arith.constant 1 : i32
      %eq3A_224 = arith.cmpi eq, %select_n3A_222, %eq3A_223 : i32
      %select_n3A_225 = arith.constant 0 : i32
      %select_n3A_226 = arith.select %eq3A_224, %select_n3A_225, %select_n3A_222 : i32
      %add3A_227 = arith.constant 0 : i32
      %add3A_228 = arith.addi %add3A_227, %mul3A_6 : i32
      %add3A_229 = arith.constant 0 : i32
      %add3A_230 = arith.addi %select_n3A_219, %add3A_229 : i32
      "tpu.trace_start"() <{level = 10 : i32, message = "ep_finalize"}> : () -> ()
      %rem3A_231 = arith.constant 2 : i32
      %rem3A_232 = arith.remui %scan3A_154#7, %rem3A_231 : i32
      %mul3A_233 = arith.constant 64 : i32
      %mul3A_234 = arith.muli %mul3A_233, %add3A_171 : i32
      %mul3A_235 = arith.constant 128 : i32
      %mul3A_236 = arith.muli %mul3A_235, %add3A_173 : i32
      %dma_wait3A = arith.constant 0 : i32
      %dma_wait3A_237 = arith.constant 0 : i32
      %dma_wait3A_238 = tpu.memref_slice %run_scoped3A_12[%rem3A_232, %dma_wait3A, %dma_wait3A_237] : memref<2x64x128xf32, #tpu.memory_space<vmem>> -> memref<1x64x128xf32, #tpu.memory_space<vmem>>
      %dma_wait3A_239 = tpu.memref_squeeze %dma_wait3A_238 : memref<1x64x128xf32, #tpu.memory_space<vmem>> -> memref<64x128xf32, #tpu.memory_space<vmem>>
      %dma_wait3A_240 = tpu.memref_slice %arg5[%mul3A_234, %mul3A_236] : memref<2048x2048xf32, #tpu.memory_space<hbm>> -> memref<64x128xf32, #tpu.memory_space<hbm>>
      %dma_wait3A_241 = tpu.memref_slice %run_scoped3A_13[%rem3A_232] : memref<2x!tpu.dma_semaphore, #tpu.memory_space<semaphore_mem>> -> memref<1x!tpu.dma_semaphore, #tpu.memory_space<semaphore_mem>>
      %dma_wait3A_242 = tpu.memref_squeeze %dma_wait3A_241 : memref<1x!tpu.dma_semaphore, #tpu.memory_space<semaphore_mem>> -> memref<!tpu.dma_semaphore, #tpu.memory_space<semaphore_mem>>
      %dma_wait3A_243 = tpu.memref_slice %arg5[%mul3A_234, %mul3A_236] : memref<2048x2048xf32, #tpu.memory_space<hbm>> -> memref<64x128xf32, #tpu.memory_space<hbm>>
      %dma_wait3A_244 = arith.constant 0 : i32
      %dma_wait3A_245 = arith.constant 0 : i32
      %dma_wait3A_246 = tpu.memref_slice %run_scoped3A_12[%rem3A_232, %dma_wait3A_244, %dma_wait3A_245] : memref<2x64x128xf32, #tpu.memory_space<vmem>> -> memref<1x64x128xf32, #tpu.memory_space<vmem>>
      %dma_wait3A_247 = tpu.memref_squeeze %dma_wait3A_246 : memref<1x64x128xf32, #tpu.memory_space<vmem>> -> memref<64x128xf32, #tpu.memory_space<vmem>>
      tpu.wait_dma2 semaphore(%dma_wait3A_242 : memref<!tpu.dma_semaphore, #tpu.memory_space<semaphore_mem>>) src(%dma_wait3A_247 : memref<64x128xf32, #tpu.memory_space<vmem>>) dst(%dma_wait3A_243 : memref<64x128xf32, #tpu.memory_space<hbm>>)
      "tpu.trace_stop"() : () -> ()
      tpu.yield
    }) : () -> ()
    return
  }
}

module attributes {stable_mosaic.version = 14 : i64} {
  func.func @_codec_block_kernel(%arg0: i32, %arg1: i32, %arg2: memref<2048x128xf32, #tpu.memory_space<vmem>>, %arg3: memref<32x128xf32, #tpu.memory_space<vmem>>, %arg4: memref<32x128xf32, #tpu.memory_space<vmem>>, %arg5: memref<2048x128xf32, #tpu.memory_space<vmem>>) attributes {dimension_semantics = [#tpu.dimension_semantics<arbitrary>, #tpu.dimension_semantics<arbitrary>], iteration_bounds = array<i64: 16, 7>, scalar_prefetch = 0 : i64, scratch_operands = 0 : i64, tpu.core_type = #tpu.core_type<tc>, window_params = [{transform_indices = @transform_0, window_bounds = array<i64: 2048, 128>}, {transform_indices = @transform_1, window_bounds = array<i64: 32, 128>}, {transform_indices = @transform_2, window_bounds = array<i64: 32, 128>}, {transform_indices = @transform_3, window_bounds = array<i64: 2048, 128>}]} {
    %get3A = arith.constant 0 : index
    %get3A_0 = arith.constant 0 : index
    %get3A_1 = vector.load %arg2[%get3A, %get3A_0] : memref<2048x128xf32, #tpu.memory_space<vmem>>, vector<2048x128xf32>
    %get3A_2 = arith.constant 0 : index
    %get3A_3 = arith.constant 0 : index
    %get3A_4 = vector.load %arg3[%get3A_2, %get3A_3] : memref<32x128xf32, #tpu.memory_space<vmem>>, vector<32x128xf32>
    %get3A_5 = arith.constant 0 : index
    %get3A_6 = arith.constant 0 : index
    %get3A_7 = vector.load %arg4[%get3A_5, %get3A_6] : memref<32x128xf32, #tpu.memory_space<vmem>>, vector<32x128xf32>
    %slice3A = vector.extract_strided_slice %get3A_7 {offsets = [0, 0], sizes = [1, 128], strides = [1, 1]} : vector<32x128xf32> to vector<1x128xf32>
    %slice3A_8 = vector.extract_strided_slice %get3A_7 {offsets = [1, 0], sizes = [1, 128], strides = [1, 1]} : vector<32x128xf32> to vector<1x128xf32>
    %slice3A_9 = vector.extract_strided_slice %get3A_7 {offsets = [2, 0], sizes = [1, 128], strides = [1, 1]} : vector<32x128xf32> to vector<1x128xf32>
    %slice3A_10 = vector.extract_strided_slice %get3A_7 {offsets = [3, 0], sizes = [1, 128], strides = [1, 1]} : vector<32x128xf32> to vector<1x128xf32>
    %slice3A_11 = vector.extract_strided_slice %get3A_7 {offsets = [4, 0], sizes = [1, 128], strides = [1, 1]} : vector<32x128xf32> to vector<1x128xf32>
    %slice3A_12 = vector.extract_strided_slice %get3A_7 {offsets = [5, 0], sizes = [1, 128], strides = [1, 1]} : vector<32x128xf32> to vector<1x128xf32>
    %slice3A_13 = vector.extract_strided_slice %get3A_7 {offsets = [6, 0], sizes = [1, 128], strides = [1, 1]} : vector<32x128xf32> to vector<1x128xf32>
    %slice3A_14 = vector.extract_strided_slice %get3A_7 {offsets = [7, 0], sizes = [1, 128], strides = [1, 1]} : vector<32x128xf32> to vector<1x128xf32>
    %slice3A_15 = vector.extract_strided_slice %get3A_7 {offsets = [8, 0], sizes = [1, 128], strides = [1, 1]} : vector<32x128xf32> to vector<1x128xf32>
    %slice3A_16 = vector.extract_strided_slice %get3A_7 {offsets = [9, 0], sizes = [1, 128], strides = [1, 1]} : vector<32x128xf32> to vector<1x128xf32>
    %slice3A_17 = vector.extract_strided_slice %get3A_7 {offsets = [10, 0], sizes = [1, 128], strides = [1, 1]} : vector<32x128xf32> to vector<1x128xf32>
    %slice3A_18 = vector.extract_strided_slice %get3A_7 {offsets = [11, 0], sizes = [1, 128], strides = [1, 1]} : vector<32x128xf32> to vector<1x128xf32>
    %slice3A_19 = vector.extract_strided_slice %get3A_7 {offsets = [12, 0], sizes = [1, 128], strides = [1, 1]} : vector<32x128xf32> to vector<1x128xf32>
    %slice3A_20 = vector.extract_strided_slice %get3A_7 {offsets = [13, 0], sizes = [1, 128], strides = [1, 1]} : vector<32x128xf32> to vector<1x128xf32>
    %slice3A_21 = vector.extract_strided_slice %get3A_7 {offsets = [14, 0], sizes = [1, 128], strides = [1, 1]} : vector<32x128xf32> to vector<1x128xf32>
    %slice3A_22 = vector.extract_strided_slice %get3A_7 {offsets = [15, 0], sizes = [1, 128], strides = [1, 1]} : vector<32x128xf32> to vector<1x128xf32>
    %slice3A_23 = vector.extract_strided_slice %get3A_4 {offsets = [0, 0], sizes = [1, 128], strides = [1, 1]} : vector<32x128xf32> to vector<1x128xf32>
    %gt3A = vector.broadcast %slice3A_23 : vector<1x128xf32> to vector<2048x128xf32>
    %gt3A_24 = arith.cmpf ogt, %get3A_1, %gt3A : vector<2048x128xf32>
    %broadcast_in_dim3A = vector.shape_cast %slice3A_8 : vector<1x128xf32> to vector<1x128xf32>
    %broadcast_in_dim3A_25 = vector.broadcast %broadcast_in_dim3A : vector<1x128xf32> to vector<2048x128xf32>
    %broadcast_in_dim3A_26 = vector.shape_cast %slice3A : vector<1x128xf32> to vector<1x128xf32>
    %broadcast_in_dim3A_27 = vector.broadcast %broadcast_in_dim3A_26 : vector<1x128xf32> to vector<2048x128xf32>
    %select_n3A = arith.select %gt3A_24, %broadcast_in_dim3A_25, %broadcast_in_dim3A_27 : vector<2048x128xi1>, vector<2048x128xf32>
    %slice3A_28 = vector.extract_strided_slice %get3A_4 {offsets = [2, 0], sizes = [1, 128], strides = [1, 1]} : vector<32x128xf32> to vector<1x128xf32>
    %gt3A_29 = vector.broadcast %slice3A_28 : vector<1x128xf32> to vector<2048x128xf32>
    %gt3A_30 = arith.cmpf ogt, %get3A_1, %gt3A_29 : vector<2048x128xf32>
    %broadcast_in_dim3A_31 = vector.shape_cast %slice3A_10 : vector<1x128xf32> to vector<1x128xf32>
    %broadcast_in_dim3A_32 = vector.broadcast %broadcast_in_dim3A_31 : vector<1x128xf32> to vector<2048x128xf32>
    %broadcast_in_dim3A_33 = vector.shape_cast %slice3A_9 : vector<1x128xf32> to vector<1x128xf32>
    %broadcast_in_dim3A_34 = vector.broadcast %broadcast_in_dim3A_33 : vector<1x128xf32> to vector<2048x128xf32>
    %select_n3A_35 = arith.select %gt3A_30, %broadcast_in_dim3A_32, %broadcast_in_dim3A_34 : vector<2048x128xi1>, vector<2048x128xf32>
    %slice3A_36 = vector.extract_strided_slice %get3A_4 {offsets = [4, 0], sizes = [1, 128], strides = [1, 1]} : vector<32x128xf32> to vector<1x128xf32>
    %gt3A_37 = vector.broadcast %slice3A_36 : vector<1x128xf32> to vector<2048x128xf32>
    %gt3A_38 = arith.cmpf ogt, %get3A_1, %gt3A_37 : vector<2048x128xf32>
    %broadcast_in_dim3A_39 = vector.shape_cast %slice3A_12 : vector<1x128xf32> to vector<1x128xf32>
    %broadcast_in_dim3A_40 = vector.broadcast %broadcast_in_dim3A_39 : vector<1x128xf32> to vector<2048x128xf32>
    %broadcast_in_dim3A_41 = vector.shape_cast %slice3A_11 : vector<1x128xf32> to vector<1x128xf32>
    %broadcast_in_dim3A_42 = vector.broadcast %broadcast_in_dim3A_41 : vector<1x128xf32> to vector<2048x128xf32>
    %select_n3A_43 = arith.select %gt3A_38, %broadcast_in_dim3A_40, %broadcast_in_dim3A_42 : vector<2048x128xi1>, vector<2048x128xf32>
    %slice3A_44 = vector.extract_strided_slice %get3A_4 {offsets = [6, 0], sizes = [1, 128], strides = [1, 1]} : vector<32x128xf32> to vector<1x128xf32>
    %gt3A_45 = vector.broadcast %slice3A_44 : vector<1x128xf32> to vector<2048x128xf32>
    %gt3A_46 = arith.cmpf ogt, %get3A_1, %gt3A_45 : vector<2048x128xf32>
    %broadcast_in_dim3A_47 = vector.shape_cast %slice3A_14 : vector<1x128xf32> to vector<1x128xf32>
    %broadcast_in_dim3A_48 = vector.broadcast %broadcast_in_dim3A_47 : vector<1x128xf32> to vector<2048x128xf32>
    %broadcast_in_dim3A_49 = vector.shape_cast %slice3A_13 : vector<1x128xf32> to vector<1x128xf32>
    %broadcast_in_dim3A_50 = vector.broadcast %broadcast_in_dim3A_49 : vector<1x128xf32> to vector<2048x128xf32>
    %select_n3A_51 = arith.select %gt3A_46, %broadcast_in_dim3A_48, %broadcast_in_dim3A_50 : vector<2048x128xi1>, vector<2048x128xf32>
    %slice3A_52 = vector.extract_strided_slice %get3A_4 {offsets = [8, 0], sizes = [1, 128], strides = [1, 1]} : vector<32x128xf32> to vector<1x128xf32>
    %gt3A_53 = vector.broadcast %slice3A_52 : vector<1x128xf32> to vector<2048x128xf32>
    %gt3A_54 = arith.cmpf ogt, %get3A_1, %gt3A_53 : vector<2048x128xf32>
    %broadcast_in_dim3A_55 = vector.shape_cast %slice3A_16 : vector<1x128xf32> to vector<1x128xf32>
    %broadcast_in_dim3A_56 = vector.broadcast %broadcast_in_dim3A_55 : vector<1x128xf32> to vector<2048x128xf32>
    %broadcast_in_dim3A_57 = vector.shape_cast %slice3A_15 : vector<1x128xf32> to vector<1x128xf32>
    %broadcast_in_dim3A_58 = vector.broadcast %broadcast_in_dim3A_57 : vector<1x128xf32> to vector<2048x128xf32>
    %select_n3A_59 = arith.select %gt3A_54, %broadcast_in_dim3A_56, %broadcast_in_dim3A_58 : vector<2048x128xi1>, vector<2048x128xf32>
    %slice3A_60 = vector.extract_strided_slice %get3A_4 {offsets = [10, 0], sizes = [1, 128], strides = [1, 1]} : vector<32x128xf32> to vector<1x128xf32>
    %gt3A_61 = vector.broadcast %slice3A_60 : vector<1x128xf32> to vector<2048x128xf32>
    %gt3A_62 = arith.cmpf ogt, %get3A_1, %gt3A_61 : vector<2048x128xf32>
    %broadcast_in_dim3A_63 = vector.shape_cast %slice3A_18 : vector<1x128xf32> to vector<1x128xf32>
    %broadcast_in_dim3A_64 = vector.broadcast %broadcast_in_dim3A_63 : vector<1x128xf32> to vector<2048x128xf32>
    %broadcast_in_dim3A_65 = vector.shape_cast %slice3A_17 : vector<1x128xf32> to vector<1x128xf32>
    %broadcast_in_dim3A_66 = vector.broadcast %broadcast_in_dim3A_65 : vector<1x128xf32> to vector<2048x128xf32>
    %select_n3A_67 = arith.select %gt3A_62, %broadcast_in_dim3A_64, %broadcast_in_dim3A_66 : vector<2048x128xi1>, vector<2048x128xf32>
    %slice3A_68 = vector.extract_strided_slice %get3A_4 {offsets = [12, 0], sizes = [1, 128], strides = [1, 1]} : vector<32x128xf32> to vector<1x128xf32>
    %gt3A_69 = vector.broadcast %slice3A_68 : vector<1x128xf32> to vector<2048x128xf32>
    %gt3A_70 = arith.cmpf ogt, %get3A_1, %gt3A_69 : vector<2048x128xf32>
    %broadcast_in_dim3A_71 = vector.shape_cast %slice3A_20 : vector<1x128xf32> to vector<1x128xf32>
    %broadcast_in_dim3A_72 = vector.broadcast %broadcast_in_dim3A_71 : vector<1x128xf32> to vector<2048x128xf32>
    %broadcast_in_dim3A_73 = vector.shape_cast %slice3A_19 : vector<1x128xf32> to vector<1x128xf32>
    %broadcast_in_dim3A_74 = vector.broadcast %broadcast_in_dim3A_73 : vector<1x128xf32> to vector<2048x128xf32>
    %select_n3A_75 = arith.select %gt3A_70, %broadcast_in_dim3A_72, %broadcast_in_dim3A_74 : vector<2048x128xi1>, vector<2048x128xf32>
    %slice3A_76 = vector.extract_strided_slice %get3A_4 {offsets = [14, 0], sizes = [1, 128], strides = [1, 1]} : vector<32x128xf32> to vector<1x128xf32>
    %gt3A_77 = vector.broadcast %slice3A_76 : vector<1x128xf32> to vector<2048x128xf32>
    %gt3A_78 = arith.cmpf ogt, %get3A_1, %gt3A_77 : vector<2048x128xf32>
    %broadcast_in_dim3A_79 = vector.shape_cast %slice3A_22 : vector<1x128xf32> to vector<1x128xf32>
    %broadcast_in_dim3A_80 = vector.broadcast %broadcast_in_dim3A_79 : vector<1x128xf32> to vector<2048x128xf32>
    %broadcast_in_dim3A_81 = vector.shape_cast %slice3A_21 : vector<1x128xf32> to vector<1x128xf32>
    %broadcast_in_dim3A_82 = vector.broadcast %broadcast_in_dim3A_81 : vector<1x128xf32> to vector<2048x128xf32>
    %select_n3A_83 = arith.select %gt3A_78, %broadcast_in_dim3A_80, %broadcast_in_dim3A_82 : vector<2048x128xi1>, vector<2048x128xf32>
    %slice3A_84 = vector.extract_strided_slice %get3A_4 {offsets = [1, 0], sizes = [1, 128], strides = [1, 1]} : vector<32x128xf32> to vector<1x128xf32>
    %gt3A_85 = vector.broadcast %slice3A_84 : vector<1x128xf32> to vector<2048x128xf32>
    %gt3A_86 = arith.cmpf ogt, %get3A_1, %gt3A_85 : vector<2048x128xf32>
    %select_n3A_87 = arith.select %gt3A_86, %select_n3A_35, %select_n3A : vector<2048x128xi1>, vector<2048x128xf32>
    %slice3A_88 = vector.extract_strided_slice %get3A_4 {offsets = [5, 0], sizes = [1, 128], strides = [1, 1]} : vector<32x128xf32> to vector<1x128xf32>
    %gt3A_89 = vector.broadcast %slice3A_88 : vector<1x128xf32> to vector<2048x128xf32>
    %gt3A_90 = arith.cmpf ogt, %get3A_1, %gt3A_89 : vector<2048x128xf32>
    %select_n3A_91 = arith.select %gt3A_90, %select_n3A_51, %select_n3A_43 : vector<2048x128xi1>, vector<2048x128xf32>
    %slice3A_92 = vector.extract_strided_slice %get3A_4 {offsets = [9, 0], sizes = [1, 128], strides = [1, 1]} : vector<32x128xf32> to vector<1x128xf32>
    %gt3A_93 = vector.broadcast %slice3A_92 : vector<1x128xf32> to vector<2048x128xf32>
    %gt3A_94 = arith.cmpf ogt, %get3A_1, %gt3A_93 : vector<2048x128xf32>
    %select_n3A_95 = arith.select %gt3A_94, %select_n3A_67, %select_n3A_59 : vector<2048x128xi1>, vector<2048x128xf32>
    %slice3A_96 = vector.extract_strided_slice %get3A_4 {offsets = [13, 0], sizes = [1, 128], strides = [1, 1]} : vector<32x128xf32> to vector<1x128xf32>
    %gt3A_97 = vector.broadcast %slice3A_96 : vector<1x128xf32> to vector<2048x128xf32>
    %gt3A_98 = arith.cmpf ogt, %get3A_1, %gt3A_97 : vector<2048x128xf32>
    %select_n3A_99 = arith.select %gt3A_98, %select_n3A_83, %select_n3A_75 : vector<2048x128xi1>, vector<2048x128xf32>
    %slice3A_100 = vector.extract_strided_slice %get3A_4 {offsets = [3, 0], sizes = [1, 128], strides = [1, 1]} : vector<32x128xf32> to vector<1x128xf32>
    %gt3A_101 = vector.broadcast %slice3A_100 : vector<1x128xf32> to vector<2048x128xf32>
    %gt3A_102 = arith.cmpf ogt, %get3A_1, %gt3A_101 : vector<2048x128xf32>
    %select_n3A_103 = arith.select %gt3A_102, %select_n3A_91, %select_n3A_87 : vector<2048x128xi1>, vector<2048x128xf32>
    %slice3A_104 = vector.extract_strided_slice %get3A_4 {offsets = [11, 0], sizes = [1, 128], strides = [1, 1]} : vector<32x128xf32> to vector<1x128xf32>
    %gt3A_105 = vector.broadcast %slice3A_104 : vector<1x128xf32> to vector<2048x128xf32>
    %gt3A_106 = arith.cmpf ogt, %get3A_1, %gt3A_105 : vector<2048x128xf32>
    %select_n3A_107 = arith.select %gt3A_106, %select_n3A_99, %select_n3A_95 : vector<2048x128xi1>, vector<2048x128xf32>
    %slice3A_108 = vector.extract_strided_slice %get3A_4 {offsets = [7, 0], sizes = [1, 128], strides = [1, 1]} : vector<32x128xf32> to vector<1x128xf32>
    %gt3A_109 = vector.broadcast %slice3A_108 : vector<1x128xf32> to vector<2048x128xf32>
    %gt3A_110 = arith.cmpf ogt, %get3A_1, %gt3A_109 : vector<2048x128xf32>
    %select_n3A_111 = arith.select %gt3A_110, %select_n3A_107, %select_n3A_103 : vector<2048x128xi1>, vector<2048x128xf32>
    %slice3A_112 = vector.extract_strided_slice %get3A_7 {offsets = [16, 0], sizes = [1, 128], strides = [1, 1]} : vector<32x128xf32> to vector<1x128xf32>
    %slice3A_113 = vector.extract_strided_slice %get3A_7 {offsets = [17, 0], sizes = [1, 128], strides = [1, 1]} : vector<32x128xf32> to vector<1x128xf32>
    %slice3A_114 = vector.extract_strided_slice %get3A_7 {offsets = [18, 0], sizes = [1, 128], strides = [1, 1]} : vector<32x128xf32> to vector<1x128xf32>
    %slice3A_115 = vector.extract_strided_slice %get3A_7 {offsets = [19, 0], sizes = [1, 128], strides = [1, 1]} : vector<32x128xf32> to vector<1x128xf32>
    %slice3A_116 = vector.extract_strided_slice %get3A_7 {offsets = [20, 0], sizes = [1, 128], strides = [1, 1]} : vector<32x128xf32> to vector<1x128xf32>
    %slice3A_117 = vector.extract_strided_slice %get3A_7 {offsets = [21, 0], sizes = [1, 128], strides = [1, 1]} : vector<32x128xf32> to vector<1x128xf32>
    %slice3A_118 = vector.extract_strided_slice %get3A_7 {offsets = [22, 0], sizes = [1, 128], strides = [1, 1]} : vector<32x128xf32> to vector<1x128xf32>
    %slice3A_119 = vector.extract_strided_slice %get3A_7 {offsets = [23, 0], sizes = [1, 128], strides = [1, 1]} : vector<32x128xf32> to vector<1x128xf32>
    %slice3A_120 = vector.extract_strided_slice %get3A_7 {offsets = [24, 0], sizes = [1, 128], strides = [1, 1]} : vector<32x128xf32> to vector<1x128xf32>
    %slice3A_121 = vector.extract_strided_slice %get3A_7 {offsets = [25, 0], sizes = [1, 128], strides = [1, 1]} : vector<32x128xf32> to vector<1x128xf32>
    %slice3A_122 = vector.extract_strided_slice %get3A_7 {offsets = [26, 0], sizes = [1, 128], strides = [1, 1]} : vector<32x128xf32> to vector<1x128xf32>
    %slice3A_123 = vector.extract_strided_slice %get3A_7 {offsets = [27, 0], sizes = [1, 128], strides = [1, 1]} : vector<32x128xf32> to vector<1x128xf32>
    %slice3A_124 = vector.extract_strided_slice %get3A_7 {offsets = [28, 0], sizes = [1, 128], strides = [1, 1]} : vector<32x128xf32> to vector<1x128xf32>
    %slice3A_125 = vector.extract_strided_slice %get3A_7 {offsets = [29, 0], sizes = [1, 128], strides = [1, 1]} : vector<32x128xf32> to vector<1x128xf32>
    %slice3A_126 = vector.extract_strided_slice %get3A_7 {offsets = [30, 0], sizes = [1, 128], strides = [1, 1]} : vector<32x128xf32> to vector<1x128xf32>
    %slice3A_127 = vector.extract_strided_slice %get3A_7 {offsets = [31, 0], sizes = [1, 128], strides = [1, 1]} : vector<32x128xf32> to vector<1x128xf32>
    %slice3A_128 = vector.extract_strided_slice %get3A_4 {offsets = [16, 0], sizes = [1, 128], strides = [1, 1]} : vector<32x128xf32> to vector<1x128xf32>
    %gt3A_129 = vector.broadcast %slice3A_128 : vector<1x128xf32> to vector<2048x128xf32>
    %gt3A_130 = arith.cmpf ogt, %get3A_1, %gt3A_129 : vector<2048x128xf32>
    %broadcast_in_dim3A_131 = vector.shape_cast %slice3A_113 : vector<1x128xf32> to vector<1x128xf32>
    %broadcast_in_dim3A_132 = vector.broadcast %broadcast_in_dim3A_131 : vector<1x128xf32> to vector<2048x128xf32>
    %broadcast_in_dim3A_133 = vector.shape_cast %slice3A_112 : vector<1x128xf32> to vector<1x128xf32>
    %broadcast_in_dim3A_134 = vector.broadcast %broadcast_in_dim3A_133 : vector<1x128xf32> to vector<2048x128xf32>
    %select_n3A_135 = arith.select %gt3A_130, %broadcast_in_dim3A_132, %broadcast_in_dim3A_134 : vector<2048x128xi1>, vector<2048x128xf32>
    %slice3A_136 = vector.extract_strided_slice %get3A_4 {offsets = [18, 0], sizes = [1, 128], strides = [1, 1]} : vector<32x128xf32> to vector<1x128xf32>
    %gt3A_137 = vector.broadcast %slice3A_136 : vector<1x128xf32> to vector<2048x128xf32>
    %gt3A_138 = arith.cmpf ogt, %get3A_1, %gt3A_137 : vector<2048x128xf32>
    %broadcast_in_dim3A_139 = vector.shape_cast %slice3A_115 : vector<1x128xf32> to vector<1x128xf32>
    %broadcast_in_dim3A_140 = vector.broadcast %broadcast_in_dim3A_139 : vector<1x128xf32> to vector<2048x128xf32>
    %broadcast_in_dim3A_141 = vector.shape_cast %slice3A_114 : vector<1x128xf32> to vector<1x128xf32>
    %broadcast_in_dim3A_142 = vector.broadcast %broadcast_in_dim3A_141 : vector<1x128xf32> to vector<2048x128xf32>
    %select_n3A_143 = arith.select %gt3A_138, %broadcast_in_dim3A_140, %broadcast_in_dim3A_142 : vector<2048x128xi1>, vector<2048x128xf32>
    %slice3A_144 = vector.extract_strided_slice %get3A_4 {offsets = [20, 0], sizes = [1, 128], strides = [1, 1]} : vector<32x128xf32> to vector<1x128xf32>
    %gt3A_145 = vector.broadcast %slice3A_144 : vector<1x128xf32> to vector<2048x128xf32>
    %gt3A_146 = arith.cmpf ogt, %get3A_1, %gt3A_145 : vector<2048x128xf32>
    %broadcast_in_dim3A_147 = vector.shape_cast %slice3A_117 : vector<1x128xf32> to vector<1x128xf32>
    %broadcast_in_dim3A_148 = vector.broadcast %broadcast_in_dim3A_147 : vector<1x128xf32> to vector<2048x128xf32>
    %broadcast_in_dim3A_149 = vector.shape_cast %slice3A_116 : vector<1x128xf32> to vector<1x128xf32>
    %broadcast_in_dim3A_150 = vector.broadcast %broadcast_in_dim3A_149 : vector<1x128xf32> to vector<2048x128xf32>
    %select_n3A_151 = arith.select %gt3A_146, %broadcast_in_dim3A_148, %broadcast_in_dim3A_150 : vector<2048x128xi1>, vector<2048x128xf32>
    %slice3A_152 = vector.extract_strided_slice %get3A_4 {offsets = [22, 0], sizes = [1, 128], strides = [1, 1]} : vector<32x128xf32> to vector<1x128xf32>
    %gt3A_153 = vector.broadcast %slice3A_152 : vector<1x128xf32> to vector<2048x128xf32>
    %gt3A_154 = arith.cmpf ogt, %get3A_1, %gt3A_153 : vector<2048x128xf32>
    %broadcast_in_dim3A_155 = vector.shape_cast %slice3A_119 : vector<1x128xf32> to vector<1x128xf32>
    %broadcast_in_dim3A_156 = vector.broadcast %broadcast_in_dim3A_155 : vector<1x128xf32> to vector<2048x128xf32>
    %broadcast_in_dim3A_157 = vector.shape_cast %slice3A_118 : vector<1x128xf32> to vector<1x128xf32>
    %broadcast_in_dim3A_158 = vector.broadcast %broadcast_in_dim3A_157 : vector<1x128xf32> to vector<2048x128xf32>
    %select_n3A_159 = arith.select %gt3A_154, %broadcast_in_dim3A_156, %broadcast_in_dim3A_158 : vector<2048x128xi1>, vector<2048x128xf32>
    %slice3A_160 = vector.extract_strided_slice %get3A_4 {offsets = [24, 0], sizes = [1, 128], strides = [1, 1]} : vector<32x128xf32> to vector<1x128xf32>
    %gt3A_161 = vector.broadcast %slice3A_160 : vector<1x128xf32> to vector<2048x128xf32>
    %gt3A_162 = arith.cmpf ogt, %get3A_1, %gt3A_161 : vector<2048x128xf32>
    %broadcast_in_dim3A_163 = vector.shape_cast %slice3A_121 : vector<1x128xf32> to vector<1x128xf32>
    %broadcast_in_dim3A_164 = vector.broadcast %broadcast_in_dim3A_163 : vector<1x128xf32> to vector<2048x128xf32>
    %broadcast_in_dim3A_165 = vector.shape_cast %slice3A_120 : vector<1x128xf32> to vector<1x128xf32>
    %broadcast_in_dim3A_166 = vector.broadcast %broadcast_in_dim3A_165 : vector<1x128xf32> to vector<2048x128xf32>
    %select_n3A_167 = arith.select %gt3A_162, %broadcast_in_dim3A_164, %broadcast_in_dim3A_166 : vector<2048x128xi1>, vector<2048x128xf32>
    %slice3A_168 = vector.extract_strided_slice %get3A_4 {offsets = [26, 0], sizes = [1, 128], strides = [1, 1]} : vector<32x128xf32> to vector<1x128xf32>
    %gt3A_169 = vector.broadcast %slice3A_168 : vector<1x128xf32> to vector<2048x128xf32>
    %gt3A_170 = arith.cmpf ogt, %get3A_1, %gt3A_169 : vector<2048x128xf32>
    %broadcast_in_dim3A_171 = vector.shape_cast %slice3A_123 : vector<1x128xf32> to vector<1x128xf32>
    %broadcast_in_dim3A_172 = vector.broadcast %broadcast_in_dim3A_171 : vector<1x128xf32> to vector<2048x128xf32>
    %broadcast_in_dim3A_173 = vector.shape_cast %slice3A_122 : vector<1x128xf32> to vector<1x128xf32>
    %broadcast_in_dim3A_174 = vector.broadcast %broadcast_in_dim3A_173 : vector<1x128xf32> to vector<2048x128xf32>
    %select_n3A_175 = arith.select %gt3A_170, %broadcast_in_dim3A_172, %broadcast_in_dim3A_174 : vector<2048x128xi1>, vector<2048x128xf32>
    %slice3A_176 = vector.extract_strided_slice %get3A_4 {offsets = [28, 0], sizes = [1, 128], strides = [1, 1]} : vector<32x128xf32> to vector<1x128xf32>
    %gt3A_177 = vector.broadcast %slice3A_176 : vector<1x128xf32> to vector<2048x128xf32>
    %gt3A_178 = arith.cmpf ogt, %get3A_1, %gt3A_177 : vector<2048x128xf32>
    %broadcast_in_dim3A_179 = vector.shape_cast %slice3A_125 : vector<1x128xf32> to vector<1x128xf32>
    %broadcast_in_dim3A_180 = vector.broadcast %broadcast_in_dim3A_179 : vector<1x128xf32> to vector<2048x128xf32>
    %broadcast_in_dim3A_181 = vector.shape_cast %slice3A_124 : vector<1x128xf32> to vector<1x128xf32>
    %broadcast_in_dim3A_182 = vector.broadcast %broadcast_in_dim3A_181 : vector<1x128xf32> to vector<2048x128xf32>
    %select_n3A_183 = arith.select %gt3A_178, %broadcast_in_dim3A_180, %broadcast_in_dim3A_182 : vector<2048x128xi1>, vector<2048x128xf32>
    %slice3A_184 = vector.extract_strided_slice %get3A_4 {offsets = [30, 0], sizes = [1, 128], strides = [1, 1]} : vector<32x128xf32> to vector<1x128xf32>
    %gt3A_185 = vector.broadcast %slice3A_184 : vector<1x128xf32> to vector<2048x128xf32>
    %gt3A_186 = arith.cmpf ogt, %get3A_1, %gt3A_185 : vector<2048x128xf32>
    %broadcast_in_dim3A_187 = vector.shape_cast %slice3A_127 : vector<1x128xf32> to vector<1x128xf32>
    %broadcast_in_dim3A_188 = vector.broadcast %broadcast_in_dim3A_187 : vector<1x128xf32> to vector<2048x128xf32>
    %broadcast_in_dim3A_189 = vector.shape_cast %slice3A_126 : vector<1x128xf32> to vector<1x128xf32>
    %broadcast_in_dim3A_190 = vector.broadcast %broadcast_in_dim3A_189 : vector<1x128xf32> to vector<2048x128xf32>
    %select_n3A_191 = arith.select %gt3A_186, %broadcast_in_dim3A_188, %broadcast_in_dim3A_190 : vector<2048x128xi1>, vector<2048x128xf32>
    %slice3A_192 = vector.extract_strided_slice %get3A_4 {offsets = [17, 0], sizes = [1, 128], strides = [1, 1]} : vector<32x128xf32> to vector<1x128xf32>
    %gt3A_193 = vector.broadcast %slice3A_192 : vector<1x128xf32> to vector<2048x128xf32>
    %gt3A_194 = arith.cmpf ogt, %get3A_1, %gt3A_193 : vector<2048x128xf32>
    %select_n3A_195 = arith.select %gt3A_194, %select_n3A_143, %select_n3A_135 : vector<2048x128xi1>, vector<2048x128xf32>
    %slice3A_196 = vector.extract_strided_slice %get3A_4 {offsets = [21, 0], sizes = [1, 128], strides = [1, 1]} : vector<32x128xf32> to vector<1x128xf32>
    %gt3A_197 = vector.broadcast %slice3A_196 : vector<1x128xf32> to vector<2048x128xf32>
    %gt3A_198 = arith.cmpf ogt, %get3A_1, %gt3A_197 : vector<2048x128xf32>
    %select_n3A_199 = arith.select %gt3A_198, %select_n3A_159, %select_n3A_151 : vector<2048x128xi1>, vector<2048x128xf32>
    %slice3A_200 = vector.extract_strided_slice %get3A_4 {offsets = [25, 0], sizes = [1, 128], strides = [1, 1]} : vector<32x128xf32> to vector<1x128xf32>
    %gt3A_201 = vector.broadcast %slice3A_200 : vector<1x128xf32> to vector<2048x128xf32>
    %gt3A_202 = arith.cmpf ogt, %get3A_1, %gt3A_201 : vector<2048x128xf32>
    %select_n3A_203 = arith.select %gt3A_202, %select_n3A_175, %select_n3A_167 : vector<2048x128xi1>, vector<2048x128xf32>
    %slice3A_204 = vector.extract_strided_slice %get3A_4 {offsets = [29, 0], sizes = [1, 128], strides = [1, 1]} : vector<32x128xf32> to vector<1x128xf32>
    %gt3A_205 = vector.broadcast %slice3A_204 : vector<1x128xf32> to vector<2048x128xf32>
    %gt3A_206 = arith.cmpf ogt, %get3A_1, %gt3A_205 : vector<2048x128xf32>
    %select_n3A_207 = arith.select %gt3A_206, %select_n3A_191, %select_n3A_183 : vector<2048x128xi1>, vector<2048x128xf32>
    %slice3A_208 = vector.extract_strided_slice %get3A_4 {offsets = [19, 0], sizes = [1, 128], strides = [1, 1]} : vector<32x128xf32> to vector<1x128xf32>
    %gt3A_209 = vector.broadcast %slice3A_208 : vector<1x128xf32> to vector<2048x128xf32>
    %gt3A_210 = arith.cmpf ogt, %get3A_1, %gt3A_209 : vector<2048x128xf32>
    %select_n3A_211 = arith.select %gt3A_210, %select_n3A_199, %select_n3A_195 : vector<2048x128xi1>, vector<2048x128xf32>
    %slice3A_212 = vector.extract_strided_slice %get3A_4 {offsets = [27, 0], sizes = [1, 128], strides = [1, 1]} : vector<32x128xf32> to vector<1x128xf32>
    %gt3A_213 = vector.broadcast %slice3A_212 : vector<1x128xf32> to vector<2048x128xf32>
    %gt3A_214 = arith.cmpf ogt, %get3A_1, %gt3A_213 : vector<2048x128xf32>
    %select_n3A_215 = arith.select %gt3A_214, %select_n3A_207, %select_n3A_203 : vector<2048x128xi1>, vector<2048x128xf32>
    %slice3A_216 = vector.extract_strided_slice %get3A_4 {offsets = [23, 0], sizes = [1, 128], strides = [1, 1]} : vector<32x128xf32> to vector<1x128xf32>
    %gt3A_217 = vector.broadcast %slice3A_216 : vector<1x128xf32> to vector<2048x128xf32>
    %gt3A_218 = arith.cmpf ogt, %get3A_1, %gt3A_217 : vector<2048x128xf32>
    %select_n3A_219 = arith.select %gt3A_218, %select_n3A_215, %select_n3A_211 : vector<2048x128xi1>, vector<2048x128xf32>
    %slice3A_220 = vector.extract_strided_slice %get3A_4 {offsets = [15, 0], sizes = [1, 128], strides = [1, 1]} : vector<32x128xf32> to vector<1x128xf32>
    %gt3A_221 = vector.broadcast %slice3A_220 : vector<1x128xf32> to vector<2048x128xf32>
    %gt3A_222 = arith.cmpf ogt, %get3A_1, %gt3A_221 : vector<2048x128xf32>
    %select_n3A_223 = arith.select %gt3A_222, %select_n3A_219, %select_n3A_111 : vector<2048x128xi1>, vector<2048x128xf32>
    %swap3A = arith.constant 0 : index
    %swap3A_224 = arith.constant 0 : index
    %swap3A_225 = vector.load %arg5[%swap3A, %swap3A_224] : memref<2048x128xf32, #tpu.memory_space<vmem>>, vector<2048x128xf32>
    tpu.vector_store %arg5[%swap3A, %swap3A_224], %select_n3A_223 {strides = array<i32>} : memref<2048x128xf32, #tpu.memory_space<vmem>>, vector<2048x128xf32>,
    return
  }
  func.func @transform_0(%arg0: i32, %arg1: i32) -> (i32, i32) {
    %add3A = arith.constant 1 : i32
    %add3A_0 = arith.addi %arg1, %add3A : i32
    %c0_i32 = arith.constant 0 : i32
    return %add3A_0, %arg0 : i32, i32
  }
  func.func @transform_1(%arg0: i32, %arg1: i32) -> (i32, i32) {
    %c0_i32 = arith.constant 0 : i32
    %c0_i32_0 = arith.constant 0 : i32
    return %c0_i32, %arg0 : i32, i32
  }
  func.func @transform_2(%arg0: i32, %arg1: i32) -> (i32, i32) {
    %c0_i32 = arith.constant 0 : i32
    %c0_i32_0 = arith.constant 0 : i32
    return %c0_i32, %arg0 : i32, i32
  }
  func.func @transform_3(%arg0: i32, %arg1: i32) -> (i32, i32) {
    %add3A = arith.constant 1 : i32
    %add3A_0 = arith.addi %arg1, %add3A : i32
    %c0_i32 = arith.constant 0 : i32
    return %add3A_0, %arg0 : i32, i32
  }
}

</mosaic_0001>

<sc_bundles>
// kernel: _codec.4.cloned.1.call-start
scs
__scs_entry_jumppad:
0x0: {  	(pc) =	sbr.rel $0x88, $3  }
0x1: {  	(tag) =	ssettag $0x0;
	lr =	simm.s32 $0x1  }
0x2: {  	[smem:$0x3F9C] =	sst lr;
	_ =	strace $0xD0000000  }
0x3: {  	_ = 	snop  }
0x4: {  	_ = 	snop  }
0x5: {  	_ = 	snop  }
0x6: {  	_ = 	snop  }
0x7: {  	_ = 	snop  }
__scs_overlays_trampoline_lowered:
0x8: {  	[smem:$0x3FAB] =	sst s0  }
0x9: {  	[smem:$0x3FAC] =	sst s1  }
0xa: {  	[smem:$0x3FAD] =	sst s2  }
0xb: {  	[smem:$0x3FAE] =	sst s3  }
0xc: {  	[smem:$0x3FAF] =	sst s4  }
0xd: {  	[smem:$0x3FB0] =	sst s5  }
0xe: {  	[smem:$0x3FB1] =	sst s6  }
0xf: {  	[smem:$0x3FB2] =	sst s7  }
0x10: {  	[smem:$0x3FB3] =	sst s8  }
0x11: {  	[smem:$0x3FB4] =	sst s9;
	s0 =	simm.s32 @!p0 $0x0  }
0x12: {  	s1 =	sld [smem:$0x3F9A];
	s0 =	simm.s32 @p0 $0x1  }
0x13: {  	[smem:$0x3FB5] =	sst s0;
	s0 =	simm.s32 @!p1 $0x0  }
0x14: {  	s2 =	sld [smem:$0x3F99];
	s0 =	simm.s32 @p1 $0x1  }
0x15: {  	[smem:$0x3FB6] =	sst s0;
	s0 =	simm.s32 @!p2 $0x0  }
0x16: {  	s3 =	sld [smem:$0x3FDB];
	s0 =	simm.s32 @p2 $0x1  }
0x17: {  	s4 =	simm.s32 $0x1BF5;
	[smem:$0x3FB8] =	sst s0  }
0x18: {  	s0 =	sld [smem:$0x3F9B];
	_ =	swait.ge [sflag:s4], $0x0  }
0x19: {  	s7 =	sld [smem:$0x3F9C]  }
0x1a: {  	s8 =	sadd.s32 $0xFFFFE003, lr  }
0x1b: {  	s9 =	sadd.s32 $0xFFFFFEF7, lr;
	s5 =	simm.s32 $0xFFFFFFFF;
	p2 =	slt.u32 s8, $0xFFFFF086  }
0x1c: {  	p1 =	slt.u32 s9, $0xF7A;
	s5 =	simm.s32 @!p2 $0x0  }
0x1d: {  	s5 =	simm.s32 @p1 $0x1;
	p0 =	seq.s32 s7, s2  }
0x1e: {  	s7 =	smul.u32 @!p0 $0xF7A, s2;
	p2 =	seq.s32 @!p0 s5, $0x0  }
0x1f: {  	s9 =	smul.u32 $0xF7A, s1;
	s8 =	simm.s32 @!p0 $0x1BF5;
	p2 =	por !p2, p0  }
0x20: {  	[sflag:s8] =	ssyncset.s32 @!p0 $0xFFFFF086;
	s6 =	sadd.s32 @!p0 s3, s7;
	s7 =	simm.s32 @!p0 $0x108  }
0x21: {  	s3 =	sadd.s32 s3, s9;
	s6 =	sadd.s32 @!p0 $0x88, s6;
	s7 =	simm.s32 @p2 $0x1082  }
0x22: {  	[simem:s7], [sflag:s8] =	dma.local @!p0 [hbm:s6], $0xF7A  }
0x23: {  	s9 =	sor.u32 $0xD0000000, s2;
	s6 =	simm.s32 $0x108;
	_ =	swait.ge @!p0 [sflag:s8], $0x0  }
0x24: {  	s3 =	sadd.s32 $0x88, s3;
	s6 =	simm.s32 @!p1 $0x1082;
	[sflag:s4] =	ssyncset.s32 $0xFFFFF086  }
0x25: {  	[simem:s6], [sflag:s4] =	dma.local [hbm:s3], $0xF7A  }
0x26: {  	[smem:$0x3F9C] =	sst s1;
	(tag) =	ssettag s2;
	_ =	strace s9  }
0x27: {  	s1 =	sld [smem:$0x3FAC]  }
0x28: {  	s2 =	sld [smem:$0x3FAD]  }
0x29: {  	s4 =	sld [smem:$0x3FAF]  }
0x2a: {  	p0 =	seq.s32 s5, $0x0;
	s5 =	sld [smem:$0x3FB0]  }
0x2b: {  	s6 =	sld [smem:$0x3FB1]  }
0x2c: {  	s7 =	sld [smem:$0x3FB2]  }
0x2d: {  	s3 =	simm.s32 $0x108;
	s8 =	sld [smem:$0x3FB3]  }
0x2e: {  	s3 =	simm.s32 @!p0 $0x1082;
	s9 =	sld [smem:$0x3FB4]  }
0x2f: {  	lr =	sadd.s32 s0, s3;
	s0 =	sld [smem:$0x3FAB]  }
0x30: {  	s3 =	sld [smem:$0x3FAE]  }
0x31: {  	[smem:$0x3FB7] =	sst s10  }
0x32: {  	s10 =	sld [smem:$0x3FB5];
	_ =	sdelay $0x3  }
0x33: {  	p0 =	seq.s32 s10, $0x1;
	s10 =	sld [smem:$0x3FB7];
	_ =	sdelay $0x3  }
0x34: {  	[smem:$0x3FB7] =	sst s10  }
0x35: {  	s10 =	sld [smem:$0x3FB6];
	_ =	sdelay $0x3  }
0x36: {  	p1 =	seq.s32 s10, $0x1;
	s10 =	sld [smem:$0x3FB7];
	_ =	sdelay $0x3  }
0x37: {  	[smem:$0x3FB7] =	sst s10  }
0x38: {  	s10 =	sld [smem:$0x3FB8]  }
0x39: {  	_ = 	snop;
	(pc) =	sbr.ind lr, $3  }
0x3a: {  	_ = 	snop  }
0x3b: {  	_ = 	snop  }
0x3c: {  	p2 =	seq.s32 s10, $0x1;
	s10 =	sld [smem:$0x3FB7]  }
0x3d: {  	_ =	shalt  }
0x3e: {  	_ =	shalt  }
0x3f: {  	_ =	shalt  }
0x40: {  	_ =	shalt  }
0x41: {  	_ =	shalt  }
0x42: {  	_ =	shalt  }
0x43: {  	_ =	shalt  }
0x44: {  	_ =	shalt  }
0x45: {  	_ =	shalt  }
0x46: {  	_ =	shalt  }
0x47: {  	_ =	shalt  }
0x48: {  	_ =	shalt  }
0x49: {  	_ =	shalt  }
0x4a: {  	_ =	shalt  }
0x4b: {  	_ =	shalt  }
0x4c: {  	_ =	shalt  }
0x4d: {  	_ =	shalt  }
0x4e: {  	_ =	shalt  }
0x4f: {  	_ =	shalt  }
0x50: {  	_ =	shalt  }
0x51: {  	_ =	shalt  }
0x52: {  	_ =	shalt  }
0x53: {  	_ =	shalt  }
0x54: {  	_ =	shalt  }
0x55: {  	_ =	shalt  }
0x56: {  	_ =	shalt  }
0x57: {  	_ =	shalt  }
0x58: {  	_ =	shalt  }
0x59: {  	_ =	shalt  }
0x5a: {  	_ =	shalt  }
0x5b: {  	_ =	shalt  }
0x5c: {  	_ =	shalt  }
0x5d: {  	_ =	shalt  }
0x5e: {  	_ =	shalt  }
0x5f: {  	_ =	shalt  }
0x60: {  	_ =	shalt  }
0x61: {  	_ =	shalt  }
0x62: {  	_ =	shalt  }
0x63: {  	_ =	shalt  }
0x64: {  	_ =	shalt  }
0x65: {  	_ =	shalt  }
0x66: {  	_ =	shalt  }
0x67: {  	_ =	shalt  }
0x68: {  	_ =	shalt  }
0x69: {  	_ =	shalt  }
0x6a: {  	_ =	shalt  }
0x6b: {  	_ =	shalt  }
0x6c: {  	_ =	shalt  }
0x6d: {  	_ =	shalt  }
0x6e: {  	_ =	shalt  }
0x6f: {  	_ =	shalt  }
0x70: {  	_ =	shalt  }
0x71: {  	_ =	shalt  }
0x72: {  	_ =	shalt  }
0x73: {  	_ =	shalt  }
0x74: {  	_ =	shalt  }
0x75: {  	_ =	shalt  }
0x76: {  	_ =	shalt  }
0x77: {  	_ =	shalt  }
0x78: {  	_ =	shalt  }
0x79: {  	_ =	shalt  }
0x7a: {  	_ =	shalt  }
0x7b: {  	_ =	shalt  }
0x7c: {  	_ =	shalt  }
0x7d: {  	_ =	shalt  }
0x7e: {  	_ =	shalt  }
0x7f: {  	_ =	shalt  }
0x80: {  	_ =	shalt  }
0x81: {  	_ =	shalt  }
0x82: {  	_ =	shalt  }
0x83: {  	_ =	shalt  }
0x84: {  	_ =	shalt  }
0x85: {  	_ =	shalt  }
0x86: {  	_ =	shalt  }
0x87: {  	_ =	shalt  }
.Lfunc_end0:
.L_simem_size_0:
called_computation_lowered:
.L_overlay_start_0:
0x88: {  	s2 =	sld [smem:$0x3FD9]  }
0x89: {  	s3 =	sld [smem:$0x3FFE];
	_ =	sdelay $0x1  }
0x8a: {  	s1 =	srdreg.scid  }
0x8b: {  	s0 =	sand.u32 $0x1, s1  }
0x8c: {  	s16 =	sshll.u32 s0, $0xA;
	s2 =	sadd.s32 s3, s2  }
0x8d: {  	s2 =	sadd.s32 s2, s16  }
0x8e: {  	[smem:$0x3FC3] =	sst s2  }
0x8f: {  	_ = 	snop  }
0x90: {  	(tm) =	ssettm $0x1  }
0x91: {  	s17 =	sld [smem:$0x3FFB];
	_ =	sdelay $0x3  }
0x92: {  	_ =	strace s17  }
0x93: {  	s2 =	sld [smem:$0x3FFC];
	_ =	sdelay $0x3  }
0x94: {  	_ =	strace s2  }
0x95: {  	s2 =	sld [smem:$0x3FFD];
	_ =	sdelay $0x3  }
0x96: {  	_ =	strace s2  }
0x97: {  	_ =	strace $0x8FFFFFFF  }
0x98: {  	s18 =	sld [smem:$0x3FDB];
	_ =	sdelay $0x1  }
0x99: {  	s19 =	simm.s32 $_scs_section_size  }
0x9a: {  	s4 =	simm.s32 $_size__tile_overlayer_lowered;
	s5 =	simm.s32 $_tile_overlayer_lowered  }
0x9b: {  	s22 =	simm.s32 $0x1BFF;
	s21 =	sshll.u32 s5, $0x1;
	s2 =	sadd.s32 s19, s18  }
0x9c: {  	s6 =	simm.s32 $0x0;
	s20 =	sshll.u32 s4, $0x1;
	s4 =	sadd.s32 s21, s2  }
0x9d: {  	[timem:s6], [sflag:s22] =	dma.local [hbm:s4], s20  }
0x9e: {  	_ =	swait.ge [sflag:s22], s20  }
0x9f: {  	s3 =	ssub.s32 $0x0, s20;
	[sflag:s22] =	ssyncset.done $0x0  }
0xa0: {  	[sflag:s22] =	ssyncadd.s32 s3;
	_ =	sdelay $0x1  }
0xa1: {  	s23 =	simm.s32 $0x1B8B  }
0xa2: {  	_ =	swait.ge [sflag:s23], $0x1  }
0xa3: {  	[sflag:s23] =	ssyncset.done $0x0  }
0xa4: {  	s25 =	simm.s32 $0x1B8E;
	s24 =	sld [smem:$0x3FFE];
	[sflag:s23] =	ssyncadd.s32 $0xFFFFFFFF  }
0xa5: {  	s26 =	simm.s32 $execute0_lowered;
	[smem:$0x3FD2] =	sst s25  }
0xa6: {  	s4 =	sshll.u32 s26, $0x1;
	_ =	strace $0x80000046;
	[dreg:$0x1] =	wrdreg $0xFFFFFFFF  }
0xa7: {  	s28 =	simm.s32 $_size_execute0_lowered;
	s2 =	sadd.s32 s2, s4;
	[dreg:$0x0] =	wrdreg $0x0  }
0xa8: {  	s4 =	sshll.u32 s28, $0x1;
	[dreg:$0x2] =	wrdreg s2  }
0xa9: {  	[dreg:$0x3] =	wrdreg s4  }
0xaa: {  	[dreg:$0x4] =	wrdreg $0xC0  }
0xab: {  	_ =	task [dreg:s6], $0x5FFFF  }
0xac: {  	[dreg:$0x1] =	wrdreg $0xFFFFFFFF  }
0xad: {  	[dreg:$0x0] =	wrdreg $0x60  }
0xae: {  	[dreg:$0x2] =	wrdreg s24  }
0xaf: {  	[dreg:$0x3] =	wrdreg $0x9  }
0xb0: {  	_ =	task.clear_ibuf [dreg:s6], $0x4FFFF;
	_ =	strace $0x90000046  }
0xb1: {  	s29 =	simm.s32 $0x9;
	_ =	strace $0x80000053  }
0xb2: {  	_ =	swait.ge [sflag:s29], $0x1  }
0xb3: {  	[sflag:s29] =	ssyncadd.s32 $0xFFFFFFFF  }
0xb4: {  	_ =	strace $0x90000053  }
0xb5: {  	_ =	sfence  }
0xb6: {  	s30 =	sld [smem:$0x0];
	_ =	sdelay $0x2  }
0xb7: {  	s31 =	sshll.u32 s1, $0xD;
	s1 =	sshrl.u32 s1, $0x2  }
0xb8: {  	s3 =	sand.u32 $0x4000, s31;
	s1 =	sadd.s32 s1, s30  }
0xb9: {  	s0 =	sor.u32 s3, s0;
	s1 =	sshll.u32 s1, $0x11  }
0xba: {  	s0 =	sor.u32 s1, s0  }
0xbb: {  	s0 =	sadd.s32 $0x8F2B, s0  }
0xbc: {  	[sflag:s0] =	ssyncadd.remote.s32 $0x1  }
0xbd: {  	_ =	sfence.sel $0xFFFF  }
0xbe: {  	[dreg:$0x0] =	wrdreg $0xFFFFFFFF;
	(pc) =	sbr.abs _section_cstart, $3  }
0xbf: {  	[dreg:$0x1] =	wrdreg $0xFFFFFFFF  }
0xc0: {  	_ =	task.clear_ibuf [dreg:s6], $0x2FFFF;
	_ =	strace $0x9FFFFFFF  }
0xc1: {  	(tm) =	ssettm $0x7FFFFFFF  }
tec
execute0_lowered:
.L_overlay_start_1:
0x0: {  	(tag) =	ssettag $0x1  }
0x1: {  	v0 =	vlaneseq.u32  }
0x2: {  	v0 =	vmul.u32 $0x80, v0;
	_ =	sdelay $0x1  }
0x3: {  	v3 =	vor.u32 $0x3807, v0  }
0x4: {  	s1 =	simm.s32 $0x0;
	[tilespmem:$0x1FEE0] =	vst v3;
	v3 =	vor.u32 $0x803, v0  }
0x5: {  	[smem:$0x7FF] =	sst s1;
	[tilespmem:$0x1FEF0] =	vst v3;
	v3 =	vor.u32 $0x1003, v0  }
0x6: {  	s0 =	rddreg [dreg:$0x0];
	_ =	strace $0x80000047;
	[tilespmem:$0x1FF00] =	vst v3  }
0x7: {  	v3 =	vor.u32 $0x1803, v0;
	[tilespmem:$0x1FFF0] =	vst v0  }
0x8: {  	[tilespmem:$0x1FF10] =	vst v3;
	v3 =	vor.u32 $0x2003, v0  }
0x9: {  	[tilespmem:$0x1FF20] =	vst v3;
	v3 =	vor.u32 $0x2803, v0  }
0xa: {  	[tilespmem:$0x1FF30] =	vst v3;
	v3 =	vor.u32 $0x3003, v0  }
0xb: {  	v9 =	vimm.s32 $0x0;
	v1 =	vor.u32 $0xF, v0;
	[tilespmem:$0x1FF40] =	vst v3;
	v3 =	vor.u32 $0x3803, v0  }
0xc: {  	v2 =	vor.u32 $0x80F, v0;
	v4 =	vor.u32 $0x100F, v0;
	[tilespmem:$0x1FF50] =	vst v3;
	v3 =	vor.u32 $0x1, v0  }
0xd: {  	v5 =	vor.u32 $0x180F, v0;
	v6 =	vor.u32 $0x200F, v0;
	[tilespmem:$0x1FF60] =	vst v3;
	v3 =	vor.u32 $0x801, v0  }
0xe: {  	v7 =	vor.u32 $0x280F, v0;
	v8 =	vor.u32 $0x300F, v0;
	[tilespmem:$0x1FF70] =	vst v3;
	v3 =	vor.u32 $0x1001, v0  }
0xf: {  	s2 =	srdreg.scid;
	s4 =	stileid.u32;
	v19 =	vor.u32 $0x380F, v0;
	v11 =	vor.u32 $0x7, v0;
	[tilespmem:$0x1FF80] =	vst v3;
	v3 =	vor.u32 $0x1801, v0  }
0x10: {  	s11 =	simm.s32 $0x4000;
	s12 =	simm.s32 $0xC000;
	s13 =	simm.s32 $0x8;
	v12 =	vor.u32 $0x807, v0;
	v13 =	vor.u32 $0x1007, v0;
	[tilespmem:$0x1FF90] =	vst v3;
	v3 =	vor.u32 $0x2001, v0  }
0x11: {  	s14 =	simm.s32 $0x0;
	s2 =	sand.u32 $0x1, s2;
	s3 =	sadd.s32 $0x10800, s0;
	v14 =	vor.u32 $0x1807, v0;
	v15 =	vor.u32 $0x2007, v0;
	[tilespmem:$0x1FFA0] =	vst v3;
	v3 =	vor.u32 $0x2801, v0  }
0x12: {  	s6 =	sshll.u32 s4, $0x11;
	s5 =	sshll.u32 s2, $0x15;
	s2 =	ssub.s32 $0x2, s2;
	v16 =	vor.u32 $0x2807, v0;
	v18 =	vor.u32 $0x3007, v0;
	[tilespmem:$0x1FFB0] =	vst v3;
	v3 =	vor.u32 $0x3001, v0  }
0x13: {  	s4 =	sadd.s32 $0x800, s0;
	v21 =	vor.u32 $0x3, v0;
	s5 =	sor.u32 s6, s5;
	s8 =	sshrl.u32 s2, $0x1;
	v60 =	vor.u32 $0x1000, v0;
	[tilespmem:$0x1FFC0] =	vst v3;
	v3 =	vor.u32 $0x3801, v0  }
0x14: {  	s7 =	sadd.s32 $0x90800, s0;
	v38 =	vor.u32 $0x1800, v0;
	v39 =	vor.u32 $0x2000, v0;
	s9 =	sshrl.u32 s5, $0x3;
	s31 =	ssub.s32 s2, s8;
	[tilespmem:$0x1FFD0] =	vst v3;
	v3 =	vor.u32 $0x800, v0  }
0x15: {  	s6 =	sadd.s32 $0x8800, s0;
	v40 =	vor.u32 $0x2800, v0;
	v22 =	vor.u32 $0x3800, v0;
	s8 =	sadd.s32 s3, s9;
	s9 =	smax.u32 s31, $0x1;
	[tilespmem:$0x1FFE0] =	vst v3;
	v3 =	vor.u32 $0x3000, v0  }
.LBB2_1:
0x16: {  	_ =	strace $0x80000048  }
0x17: {  	s0 =	simm.s32 $0x400;
	s25 =	simm.s32 $0x0;
	s15 =	simm.s32 $0x0  }
0x18: {  	[tilespmem:s1], [sflag:$0x1] =	stream.strided.gather [hbm4b:s8+s0], $0x2000, s11, s0, $0x200038;
	[tilespmem:$0x18000] =	vst v63  }
0x19: {  	s16 =	simm.s32 $0x0;
	s17 =	simm.s32 $0x0;
	s18 =	simm.s32 $0x1  }
0x1a: {  	[tilespmem:s11], [sflag:$0x3] =	stream.linear.gather [hbm4b:s4+s1], $0x4000, $0x200038;
	[tilespmem:$0x18000] =	vst v63  }
0x1b: {  	s19 =	simm.s32 $0x0;
	s20 =	simm.s32 $0x1;
	s21 =	simm.s32 $0x0  }
0x1c: {  	[tilespmem:s12], [sflag:$0x5] =	stream.linear.gather [hbm4b:s6+s1], $0x4000, $0x200038;
	[tilespmem:$0x18000] =	vst v63  }
0x1d: {  	s22 =	simm.s32 $0x1;
	s23 =	simm.s32 $0x0;
	_ =	strace $0x90000048  }
.LBB2_2:
0x1e: {  	s24 =	sadd.s32 $0x1, s25  }
0x1f: {  	p0 =	seq.s32 s24, $0x10  }
0x20: {  	s24 =	simm.s32 @p0 $0x0;
	p0 =	seq.s32 s23, $0xF  }
0x21: {  	p1 =	seq.s32 @!p0 s25, s24  }
0x22: {  	p2 =	por p1, p0  }
0x23: {  	s2 =	sshll.u32 @!p2 s24, $0xA  }
0x24: {  	_ =	strace @!p2 $0x80000049;
	s26 =	sand.u32 @!p2 $0x1, s22;
	s2 =	sadd.s32 @!p2 s5, s2  }
0x25: {  	s29 =	simm.s32 @!p2 $0x400;
	s30 =	simm.s32 @!p2 $0x4000;
	s2 =	sshrl.u32 @!p2 s2, $0x3  }
0x26: {  	s28 =	sshll.u32 @!p2 s26, $0xD;
	s26 =	sadd.s32 @!p2 $0x1, s26;
	s2 =	sadd.s32 @!p2 s3, s2  }
0x27: {  	[tilespmem:s28], [sflag:s26] =	stream.strided.gather @!p2 [hbm4b:s2+s29], $0x2000, s30, s29, $0x200038;
	[tilespmem:$0x18000] =	vst v63  }
0x28: {  	s2 =	sand.u32 @!p2 $0x1, s20  }
0x29: {  	s28 =	sshll.u32 @!p2 s24, $0xB;
	s30 =	simm.s32 @!p2 $0x0;
	_ =	strace @!p2 $0x90000049  }
0x2a: {  	s26 =	sshll.u32 @!p2 s2, $0xE;
	s28 =	sand.u32 @!p2 $0x1FFFF800, s28;
	s2 =	sadd.s32 @!p2 $0x3, s2  }
0x2b: {  	_ =	strace @!p2 $0x8000004A;
	s26 =	sadd.s32 @!p2 $0x4000, s26;
	s29 =	sadd.s32 @!p2 s4, s28  }
0x2c: {  	[tilespmem:s26], [sflag:s2] =	stream.linear.gather @!p2 [hbm4b:s29+s30], $0x4000, $0x200038;
	[tilespmem:$0x18000] =	vst v63  }
0x2d: {  	s2 =	sand.u32 @!p2 $0x1, s18  }
0x2e: {  	s28 =	sadd.s32 @!p2 s6, s28;
	_ =	strace @!p2 $0x9000004A;
	s26 =	sshll.u32 @!p2 s2, $0xE  }
0x2f: {  	s2 =	sadd.s32 @!p2 $0x5, s2;
	_ =	strace @!p2 $0x8000004B;
	s26 =	sadd.s32 @!p2 $0xC000, s26  }
0x30: {  	[tilespmem:s26], [sflag:s2] =	stream.linear.gather @!p2 [hbm4b:s28+s30], $0x4000, $0x200038;
	[tilespmem:$0x18000] =	vst v63  }
0x31: {  	s2 =	sand.u32 $0x1, s21;
	_ =	strace @!p2 $0x9000004B  }
0x32: {  	s10 =	sadd.s32 $0x1, s2;
	_ =	strace $0x8000004C  }
0x33: {  	_ =	swait.ge [sflag:s10], $0x2000  }
0x34: {  	[sflag:s10] =	ssyncset.done $0x0  }
0x35: {  	[sflag:s10] =	ssyncadd.s32 $0xFFFFE000  }
0x36: {  	s10 =	sand.u32 $0x1, s19;
	_ =	strace $0x9000004C  }
0x37: {  	s26 =	sadd.s32 $0x3, s10;
	_ =	strace $0x8000004D  }
0x38: {  	_ =	swait.ge [sflag:s26], $0x4000  }
0x39: {  	[sflag:s26] =	ssyncset.done $0x0  }
0x3a: {  	[sflag:s26] =	ssyncadd.s32 $0xFFFFC000  }
0x3b: {  	s30 =	sand.u32 $0x1, s17;
	_ =	strace $0x9000004D  }
0x3c: {  	s30 =	sadd.s32 $0x5, s30;
	_ =	strace $0x8000004E  }
0x3d: {  	_ =	swait.ge [sflag:s30], $0x4000  }
0x3e: {  	[sflag:s30] =	ssyncset.done $0x0  }
0x3f: {  	[sflag:s30] =	ssyncadd.s32 $0xFFFFC000  }
0x40: {  	_ =	strace $0x9000004E  }
0x41: {  	_ =	strace $0x8000004F  }
0x42: {  	v23 =	vld [tilespmem:$0x1FF00]  }
0x43: {  	v24 =	vld [tilespmem:$0x1FF10]  }
0x44: {  	v25 =	vld [tilespmem:$0x1FF20]  }
0x45: {  	v26 =	vld [tilespmem:$0x1FF30]  }
0x46: {  	v27 =	vld [tilespmem:$0x1FF40]  }
0x47: {  	v28 =	vld [tilespmem:$0x1FF50]  }
0x48: {  	p1 =	por !p1, p0;
	s29 =	sadd.s32 @!p2 $0x1, s20;
	v29 =	vld [tilespmem:$0x1FF60]  }
0x49: {  	s31 =	smov.u32 s20;
	s20 =	smov.u32 @p1 s29;
	v30 =	vld [tilespmem:$0x1FF70]  }
0x4a: {  	s0 =	smov.u32 s22;
	s20 =	smov.u32 @p0 s31;
	s28 =	sadd.s32 @!p2 $0x1, s22;
	v31 =	vld [tilespmem:$0x1FF80]  }
0x4b: {  	s22 =	smov.u32 @p1 s28;
	s28 =	sshll.u32 s19, $0xE;
	s2 =	sshll.u32 s2, $0xD;
	v32 =	vld [tilespmem:$0x1FF90]  }
0x4c: {  	s22 =	smov.u32 @p0 s0;
	s10 =	sand.u32 $0x4000, s28;
	s28 =	sand.u32 $0x1, s16;
	v33 =	vld [tilespmem:$0x1FFA0]  }
0x4d: {  	s2 =	sor.u32 $0x40, s2;
	s29 =	sshll.u32 s28, $0xD;
	s26 =	simm.s32 $0x0;
	v34 =	vld [tilespmem:$0x1FFB0]  }
0x4e: {  	s26 =	simm.s32 @p1 $0x1;
	s30 =	sadd.s32 $0x4000, s10;
	s10 =	sshll.u32 s17, $0xE;
	v35 =	vld [tilespmem:$0x1FFC0]  }
0x4f: {  	s26 =	simm.s32 @p0 $0x0;
	s0 =	sand.u32 $0x4000, s10;
	s10 =	sor.u32 $0x14070, s29;
	v36 =	vld [tilespmem:$0x1FFD0]  }
0x50: {  	v41 =	vmov s2;
	s29 =	sor.u32 $0x14000, s29;
	s31 =	sadd.s32 $0xC000, s0;
	s0 =	simm.s32 $0x0;
	v42 =	vmov s10;
	v37 =	vld [tilespmem:$0x1FFE0]  }
.LBB2_3:
0x51: {  	_ =	sdelay $0x2  }
0x52: {  	s2 =	sshra.s32 s0, $0x2;
	v43 =	vld.idx.msk [tilespmem:v1+s30+$0x0], $0xffff  }
0x53: {  	v50 =	vld.idx.msk [tilespmem:v41+s2+$0xFFFFFFC0 ss:$0x1], $0xffff;
	_ =	sdelay $0x2  }
0x54: {  	v46 =	vld.idx.msk [tilespmem:v2+s30+$0x0], $0xffff  }
0x55: {  	v47 =	vld.idx.msk [tilespmem:v4+s30+$0x0], $0xffff  }
0x56: {  	v52 =	vld.idx.msk [tilespmem:v5+s30+$0x0], $0xffff;
	vm0 =	vgt.f32 v50, v43  }
0x57: {  	v53 =	vld.idx.msk [tilespmem:v6+s30+$0x0], $0xffff;
	v51 =	vsel vm0, $0x10, v9  }
0x58: {  	v43 =	vld.idx.msk [tilespmem:v41+s2+$0x0 ss:$0x1], $0xffff;
	v45 =	vor.u32 v11, v51  }
0x59: {  	v49 =	vld.idx.msk [tilespmem:v41+s2+$0xFFFFFFD0 ss:$0x1], $0xffff  }
0x5a: {  	v48 =	vld.idx.msk [tilespmem:v41+s2+$0xFFFFFFE0 ss:$0x1], $0xffff  }
0x5b: {  	v44 =	vld.idx.msk [tilespmem:v41+s2+$0xFFFFFFF0 ss:$0x1], $0xffff  }
0x5c: {  	v56 =	vld.idx.msk [tilespmem:v7+s30+$0x0], $0xffff  }
0x5d: {  	v20 =	vmov v3;
	v3 =	vmov v40;
	vm6 =	vgt.f32 v43, v53;
	v54 =	vld.idx.msk [tilespmem:v45+s30+$0x0], $0xffff  }
0x5e: {  	v40 =	vmovc v39;
	v39 =	vmovc v38;
	v38 =	vmov v60;
	v62 =	vld.idx.msk [tilespmem:v19+s30+$0x0], $0xffff;
	vm15 =	vgt.f32 v49, v46;
	v60 =	vsel vm6, $0x10, v9  }
0x5f: {  	vm4 =	vgt.f32 v48, v47;
	v46 =	vld.idx.msk [tilespmem:v41+s2+$0x30 ss:$0x1], $0xffff;
	v55 =	vsel vm15, $0x10, v9;
	v63 =	vor.u32 v15, v60  }
0x60: {  	vm5 =	vgt.f32 v44, v52;
	v57 =	vsel vm4, $0x10, v9;
	v52 =	vor.u32 v12, v55;
	v45 =	vld.idx.msk [tilespmem:v41+s2+$0x10 ss:$0x1], $0xffff  }
0x61: {  	v10 =	vmovc v7;
	v7 =	vmovc v5;
	v5 =	vmov v2;
	v2 =	vld [tilespmem:$0x1FEE0];
	v58 =	vsel vm5, $0x10, v9;
	v59 =	vor.u32 v13, v57  }
0x62: {  	v47 =	vld.idx.msk [tilespmem:v41+s2+$0x20 ss:$0x1], $0xffff;
	v53 =	vor.u32 v14, v58;
	vm1 =	vgt.f32 v50, v54  }
0x63: {  	v54 =	vld.idx.msk [tilespmem:v8+s30+$0x0], $0xffff;
	v61 =	vsel vm1, $0x8, v9  }
0x64: {  	vm9 =	vgt.f32 v46, v62;
	v62 =	vld.idx.msk [tilespmem:v63+s30+$0x0], $0xffff;
	v51 =	vor.u32 v51, v61  }
0x65: {  	v52 =	vld.idx.msk [tilespmem:v52+s30+$0x0], $0xffff;
	vm7 =	vgt.f32 v45, v56;
	v56 =	vor.u32 v21, v51  }
0x66: {  	v59 =	vld.idx.msk [tilespmem:v59+s30+$0x0], $0xffff  }
0x67: {  	v53 =	vld.idx.msk [tilespmem:v53+s30+$0x0], $0xffff;
	v61 =	vsel vm7, $0x10, v9  }
0x68: {  	v0 =	vor.u32 v16, v61  }
0x69: {  	v17 =	vmovc v15;
	v15 =	vmovc v13;
	v13 =	vmov v11;
	vm8 =	vgt.f32 v47, v54;
	vm13 =	vgt.f32 v43, v62;
	v62 =	vld [tilespmem:$0x1FEF0]  }
0x6a: {  	v11 =	vmovc v8;
	v63 =	vsel vm9, $0x10, v9;
	v8 =	vmovc v6;
	v6 =	vmov v4;
	v54 =	vsel vm8, $0x10, v9;
	v56 =	vld.idx.msk [tilespmem:v56+s30+$0x0], $0xffff  }
0x6b: {  	v4 =	vmovc v1;
	vm10 =	vgt.f32 v49, v52;
	vm11 =	vgt.f32 v48, v59;
	v1 =	vor.u32 v18, v54  }
0x6c: {  	v2 =	vor.u32 v2, v63;
	v59 =	vsel vm11, $0x8, v9;
	vm12 =	vgt.f32 v44, v53  }
0x6d: {  	v52 =	vsel vm10, $0x8, v9;
	v53 =	vor.u32 v57, v59;
	v59 =	vsel vm12, $0x8, v9;
	v0 =	vld.idx.msk [tilespmem:v0+s30+$0x0], $0xffff  }
0x6e: {  	v52 =	vor.u32 v55, v52;
	v55 =	vor.u32 v58, v59  }
0x6f: {  	v57 =	vor.u32 v62, v52;
	v62 =	vsel vm13, $0x8, v9;
	vm14 =	vgt.f32 v50, v56  }
0x70: {  	v59 =	vor.u32 v23, v53;
	v1 =	vld.idx.msk [tilespmem:v1+s30+$0x0], $0xffff;
	v56 =	vor.u32 v60, v62;
	v60 =	vsel vm14, $0x4, v9  }
0x71: {  	v2 =	vld.idx.msk [tilespmem:v2+s30+$0x0], $0xffff;
	v58 =	vor.u32 v24, v55;
	v51 =	vor.u32 v51, v60  }
0x72: {  	vm15 =	vgt.f32 v45, v0;
	v62 =	vor.u32 v29, v51  }
0x73: {  	v60 =	vsel vm15, $0x8, v9  }
0x74: {  	v0 =	vor.u32 v25, v56;
	v57 =	vld.idx.msk [tilespmem:v57+s30+$0x0], $0xffff;
	v60 =	vor.u32 v61, v60  }
0x75: {  	vm4 =	vgt.f32 v47, v1;
	v1 =	vld.idx.msk [tilespmem:v59+s30+$0x0], $0xffff;
	v59 =	vor.u32 v26, v60  }
0x76: {  	vm5 =	vgt.f32 v46, v2;
	v2 =	vld.idx.msk [tilespmem:v58+s30+$0x0], $0xffff;
	v61 =	vsel vm4, $0x8, v9  }
0x77: {  	v54 =	vor.u32 v54, v61;
	v61 =	vsel vm5, $0x8, v9;
	v62 =	vld.idx.msk [tilespmem:v62+s30+$0x0], $0xffff  }
0x78: {  	v58 =	vor.u32 v63, v61;
	v61 =	vor.u32 v27, v54  }
0x79: {  	v0 =	vld.idx.msk [tilespmem:v0+s30+$0x0], $0xffff;
	vm6 =	vgt.f32 v49, v57  }
0x7a: {  	v63 =	vor.u32 v28, v58;
	v57 =	vld.idx.msk [tilespmem:v59+s30+$0x0], $0xffff;
	v59 =	vsel vm6, $0x4, v9  }
0x7b: {  	vm8 =	vgt.f32 v44, v2;
	vm7 =	vgt.f32 v48, v1;
	v1 =	vor.u32 v52, v59  }
0x7c: {  	v59 =	vsel vm7, $0x4, v9;
	v52 =	vsel vm8, $0x4, v9;
	vm10 =	vgt.f32 v50, v62  }
0x7d: {  	v2 =	vor.u32 v53, v59;
	v53 =	vor.u32 v30, v1;
	v59 =	vld.idx.msk [tilespmem:v61+s30+$0x0], $0xffff;
	v62 =	vsel vm10, $0x2, v9  }
0x7e: {  	v52 =	vor.u32 v55, v52;
	vm9 =	vgt.f32 v43, v0;
	v51 =	vor.u32 v51, v62;
	v62 =	vld [tilespmem:$0x1FFF0]  }
0x7f: {  	v55 =	vsel vm9, $0x4, v9;
	v61 =	vor.u32 v31, v2;
	v0 =	vld.idx.msk [tilespmem:v63+s30+$0x0], $0xffff;
	vm11 =	vgt.f32 v45, v57  }
0x80: {  	v55 =	vor.u32 v56, v55;
	v57 =	vor.u32 v32, v52;
	v56 =	vsel vm11, $0x4, v9  }
0x81: {  	v56 =	vor.u32 v60, v56;
	v60 =	vor.u32 v33, v55  }
0x82: {  	v53 =	vld.idx.msk [tilespmem:v53+s30+$0x0], $0xffff;
	vm12 =	vgt.f32 v47, v59;
	v59 =	vor.u32 v34, v56  }
0x83: {  	v51 =	vor.u32 v62, v51  }
0x84: {  	vm13 =	vgt.f32 v46, v0;
	v0 =	vld.idx.msk [tilespmem:v61+s30+$0x0], $0xffff;
	v62 =	vsel vm12, $0x4, v9  }
0x85: {  	v61 =	vsel vm13, $0x4, v9;
	v57 =	vld.idx.msk [tilespmem:v57+s30+$0x0], $0xffff;
	v54 =	vor.u32 v54, v62  }
0x86: {  	v58 =	vor.u32 v58, v61;
	v60 =	vld.idx.msk [tilespmem:v60+s30+$0x0], $0xffff;
	v61 =	vor.u32 v35, v54  }
0x87: {  	vm14 =	vgt.f32 v49, v53;
	v53 =	vld.idx.msk [tilespmem:v59+s30+$0x0], $0xffff  }
0x88: {  	v63 =	vor.u32 v36, v58;
	v59 =	vsel vm14, $0x2, v9;
	v62 =	vld.idx.msk [tilespmem:v51+s30+$0x0], $0xffff  }
0x89: {  	v1 =	vor.u32 v1, v59  }
0x8a: {  	v1 =	vor.u32 v37, v1  }
0x8b: {  	vm4 =	vgt.f32 v48, v0;
	vm2 =	vgt.f32 v44, v57;
	v0 =	vld.idx.msk [tilespmem:v61+s30+$0x0], $0xffff  }
0x8c: {  	v57 =	vsel vm2, $0x2, v9  }
0x8d: {  	vm5 =	vgt.f32 v43, v60;
	v59 =	vld.idx.msk [tilespmem:v63+s30+$0x0], $0xffff;
	vm15 =	vgt.f32 v50, v62;
	v50 =	vsel vm4, $0x2, v9  }
0x8e: {  	v60 =	vmovc v38;
	v52 =	vor.u32 v52, v57;
	vm6 =	vgt.f32 v45, v53;
	v2 =	vor.u32 v2, v50  }
0x8f: {  	v38 =	vmovc v39;
	v39 =	vmovc v40;
	v53 =	vsel vm6, $0x2, v9;
	v62 =	vld.idx.msk [tilespmem:v1+s30+$0x0], $0xffff;
	v63 =	vsel vm15, $0x1, v9;
	v2 =	vor.u32 v60, v2  }
0x90: {  	v40 =	vmovc v3;
	v53 =	vor.u32 v56, v53;
	vm7 =	vgt.f32 v47, v0;
	v0 =	vor.u32 v63, v51  }
0x91: {  	v61 =	vsel vm5, $0x2, v9;
	v52 =	vor.u32 v38, v52;
	v53 =	vor.u32 v40, v53  }
0x92: {  	v50 =	vor.u32 v55, v61;
	vm8 =	vgt.f32 v46, v59;
	v57 =	vsel vm7, $0x2, v9  }
0x93: {  	v50 =	vor.u32 v39, v50;
	v59 =	vsel vm8, $0x2, v9;
	v51 =	vor.u32 v54, v57  }
0x94: {  	v54 =	vor.u32 v58, v59;
	v51 =	vor.u32 v20, v51;
	vm9 =	vgt.f32 v49, v62;
	v56 =	vld.idx.msk [tilespmem:v2+s30+$0x0], $0xffff  }
0x95: {  	v54 =	vor.u32 v22, v54;
	v49 =	vsel vm9, $0x1, v9;
	v0 =	vld.idx.msk [tilespmem:v0+s31+$0x0], $0xffff  }
0x96: {  	v57 =	vld.idx.msk [tilespmem:v52+s30+$0x0], $0xffff;
	v1 =	vor.u32 v49, v1  }
0x97: {  	v61 =	vld.idx.msk [tilespmem:v53+s30+$0x0], $0xffff  }
0x98: {  	v55 =	vld.idx.msk [tilespmem:v50+s30+$0x0], $0xffff  }
0x99: {  	v62 =	vld.idx.msk [tilespmem:v51+s30+$0x0], $0xffff  }
0x9a: {  	v63 =	vld.idx.msk [tilespmem:v54+s30+$0x0], $0xffff;
	vm10 =	vgt.f32 v48, v56;
	[tilespmem:v42+s2+$0xFFFFFF90 ss:$0x1] =	vst.idx.msk $0xffff, v0  }
0x9b: {  	v0 =	vsel vm10, $0x1, v9;
	v1 =	vld.idx.msk [tilespmem:v1+s31+$0x0], $0xffff  }
0x9c: {  	v0 =	vor.u32 v0, v2;
	_ =	sdelay $0x3  }
0x9d: {  	vm11 =	vgt.f32 v44, v57;
	[tilespmem:v42+s2+$0xFFFFFFA0 ss:$0x1] =	vst.idx.msk $0xffff, v1  }
0x9e: {  	v1 =	vsel vm11, $0x1, v9;
	v0 =	vld.idx.msk [tilespmem:v0+s31+$0x0], $0xffff  }
0x9f: {  	v1 =	vor.u32 v1, v52;
	_ =	sdelay $0x3  }
0xa0: {  	vm12 =	vgt.f32 v43, v55;
	[tilespmem:v42+s2+$0xFFFFFFB0 ss:$0x1] =	vst.idx.msk $0xffff, v0  }
0xa1: {  	v0 =	vsel vm12, $0x1, v9;
	v1 =	vld.idx.msk [tilespmem:v1+s31+$0x0], $0xffff  }
0xa2: {  	v0 =	vor.u32 v0, v50;
	_ =	sdelay $0x3  }
0xa3: {  	vm13 =	vgt.f32 v45, v61;
	[tilespmem:v42+s2+$0xFFFFFFC0 ss:$0x1] =	vst.idx.msk $0xffff, v1  }
0xa4: {  	v1 =	vsel vm13, $0x1, v9;
	v0 =	vld.idx.msk [tilespmem:v0+s31+$0x0], $0xffff  }
0xa5: {  	v1 =	vor.u32 v1, v53;
	_ =	sdelay $0x3  }
0xa6: {  	vm14 =	vgt.f32 v47, v62;
	[tilespmem:v42+s2+$0xFFFFFFD0 ss:$0x1] =	vst.idx.msk $0xffff, v0  }
0xa7: {  	v0 =	vsel vm14, $0x1, v9;
	v1 =	vld.idx.msk [tilespmem:v1+s31+$0x0], $0xffff  }
0xa8: {  	v0 =	vor.u32 v0, v51;
	_ =	sdelay $0x3  }
0xa9: {  	vm15 =	vgt.f32 v46, v63;
	[tilespmem:v42+s2+$0xFFFFFFE0 ss:$0x1] =	vst.idx.msk $0xffff, v1  }
0xaa: {  	v1 =	vsel vm15, $0x1, v9;
	v0 =	vld.idx.msk [tilespmem:v0+s31+$0x0], $0xffff  }
0xab: {  	v1 =	vor.u32 v1, v54;
	_ =	sdelay $0x3  }
0xac: {  	[tilespmem:v42+s2+$0xFFFFFFF0 ss:$0x1] =	vst.idx.msk $0xffff, v0  }
0xad: {  	p1 =	sne.s32 s0, $0x7E00;
	v0 =	vld.idx.msk [tilespmem:v1+s31+$0x0], $0xffff  }
.Ltmp0:
0xae: {  	_ = 	snop;
	(pc) =	sbr.rel @p1 .LBB2_3-.Ltmp0, $4  }
0xaf: {  	_ = 	snop  }
0xb0: {  	v3 =	vmov v20  }
0xb1: {  	v2 =	vmovc v5;
	v5 =	vmovc v7;
	v7 =	vmov v10;
	v1 =	vmov v4;
	v4 =	vmov v6  }
0xb2: {  	s0 =	sadd.s32 $0x200, s0;
	v6 =	vmovc v8;
	v8 =	vmovc v11;
	v11 =	vmov v13;
	v13 =	vmov v15;
	v15 =	vmov v17;
	[tilespmem:v42+s2+$0x0 ss:$0x1] =	vst.idx.msk $0xffff, v0  }
0xb3: {  	p1 =	sne.s32 s25, s24  }
0xb4: {  	p1 =	por p0, p1  }
0xb5: {  	s0 =	sshll.u32 @p1 s25, $0xA  }
0xb6: {  	_ =	strace $0x9000004F;
	p0 =	seq.s32 s23, $0x0;
	s0 =	sadd.s32 @p1 s5, s0  }
0xb7: {  	_ =	strace @p1 $0x80000050;
	s2 =	sadd.s32 @p1 $0x7, s28;
	s0 =	sshrl.u32 @p1 s0, $0x3  }
0xb8: {  	s10 =	simm.s32 @p1 $0x400;
	s25 =	simm.s32 @p1 $0x4000;
	s0 =	sadd.s32 @p1 s7, s0  }
0xb9: {  	[hbm4b:s0+s10] =	stream.strided.scatter @p1 [tilespmem:s29], [sflag:s2], $0x2000, s25, s10, $0x200038;
	[tilespmem:$0x18000] =	vst v63  }
0xba: {  	s2 =	sand.u32 @!p0 $0x1, s15;
	_ =	strace @p1 $0x90000050  }
0xbb: {  	s2 =	sadd.s32 @!p0 $0x7, s2;
	_ =	strace @!p0 $0x80000051  }
0xbc: {  	s0 =	simm.s32 $0x1;
	_ =	swait.ge @!p0 [sflag:s2], $0x2000  }
0xbd: {  	s0 =	simm.s32 @!p1 $0x0;
	[sflag:s2] =	ssyncset.done @!p0 $0x0  }
0xbe: {  	p1 =	sne.s32 s23, $0x0;
	s23 =	sadd.s32 $0x1, s23;
	[sflag:s2] =	ssyncadd.s32 @!p0 $0xFFFFE000  }
0xbf: {  	_ =	strace @!p0 $0x90000051;
	p0 =	sne.s32 s23, $0x10  }
.Ltmp1:
0xc0: {  	_ = 	snop;
	(pc) =	sbr.rel @p0 .LBB2_2-.Ltmp1, $4  }
0xc1: {  	_ = 	snop  }
0xc2: {  	s18 =	sadd.s32 s18, s26;
	s10 =	simm.s32 $0x1;
	s25 =	smov.u32 s24  }
0xc3: {  	s16 =	sadd.s32 s0, s16;
	s10 =	simm.s32 @!p1 $0x0;
	s21 =	sadd.s32 s0, s21  }
0xc4: {  	s19 =	sadd.s32 s0, s19;
	s17 =	sadd.s32 s0, s17;
	s15 =	sadd.s32 s10, s15  }
0xc5: {  	s14 =	sadd.s32 $0x1, s14  }
0xc6: {  	p0 =	sne.s32 s14, s9  }
.Ltmp2:
0xc7: {  	_ =	strace $0x80000052;
	(pc) =	sbr.rel @p0 .LBB2_1-.Ltmp2, $4  }
0xc8: {  	_ =	swait.ge [sflag:s13], $0x2000  }
0xc9: {  	[sflag:s13] =	ssyncset.done $0x0  }
0xca: {  	[sflag:s13] =	ssyncadd.s32 $0xFFFFE000  }
0xcb: {  	_ =	strace $0x90000052  }
0xcc: {  	_ =	sfence.sel $0x180000  }
0xcd: {  	[bflag:$0x0] =	sbarrier.arrive $0xFFFF  }
0xce: {  	_ =	strace $0x90000047  }
0xcf: {  	s0 =	stileid.u32;
	[bflag:$0x2] =	sbarrier.arrive $0xFFFF  }
0xd0: {  	p0 =	sne.s32 s0, $0x0;
	s0 =	rddreg [dreg:$0x1]  }
0xd1: {  	s0 =	sadd.s32 @!p0 $0x100000, s0  }
0xd2: {  	[sflag:s0] =	ssyncadd.tile.s32 @!p0 $0x1;
	_ =	shalt  }
.Lfunc_end2:
_tile_overlayer_lowered:
.L_overlay_start_2:
0xd3: {  	(tag) =	ssettag $0x2  }
0xd4: {  	s0 =	rddreg [dreg:$0x0];
	s2 =	stileid.u32  }
0xd5: {  	s1 =	rddreg [dreg:$0x1];
	p0 =	sne.s32 s2, $0x0  }
0xd6: {  	s3 =	rddreg [dreg:$0x2];
	[bflag:$0x3] =	sbarrier.arrive $0xFFFF;
	s2 =	simm.s32 @!p0 $0x1C01  }
0xd7: {  	[timem:s3], [sflag:s2] =	dma.local @!p0 [hbm:s0], s1  }
0xd8: {  	s0 =	simm.s32 @!p0 $0x1  }
0xd9: {  	_ =	swait.ge @!p0 [sflag:s0], s1  }
0xda: {  	s1 =	ssub.s32 @!p0 $0x0, s1;
	[sflag:s0] =	ssyncset.done @!p0 $0x0  }
0xdb: {  	[sflag:s0] =	ssyncadd.s32 @!p0 s1  }
0xdc: {  	[bflag:$0x3] =	sbarrier.arrive $0xFFFF  }
0xdd: {  	_ =	shalt  }

</sc_bundles>
